<compile_context>
chip_gen: v7x
topology: tpu7x:2x2x1
jax: 0.10.2.dev20260603
libtpu: 0.0.44.dev20260713+nightly
codegen_flags: <defaults>
</compile_context>

<pallas_src>
import jax
import jax.numpy as jnp
from jax import lax
from jax.experimental import pallas as pl
from jax.experimental.pallas import tpu as pltpu
from jax.experimental.pallas import tpu_sc as plsc

B = 4
N = 8192
H = 768
C = 256
K = 32

TN = 2048
NT = N // TN

L = 16
NWORK = 32
CHUNKS_PER_W = (B * C // L) // NWORK


def _enc_body(x_ref, w_ref, b_ref, wa_ref, ba_ref, u_ref, z_ref, psum):
    bi = pl.program_id(0)
    n = pl.program_id(1)
    xt = x_ref[0]
    u = jnp.maximum(
        jnp.dot(xt, w_ref[...], preferred_element_type=jnp.float32)
        + b_ref[...], 0.0)
    u_ref[0] = u
    part = jnp.sum(u, axis=0, keepdims=True)

    @pl.when(n == 0)
    def _():
        psum[pl.ds(bi, 1), :] = part

    @pl.when(n != 0)
    def _():
        psum[pl.ds(bi, 1), :] += part

    @pl.when((bi == B - 1) & (n == NT - 1))
    def _agg():
        u_bar = psum[...] * (1.0 / N)
        logits = jnp.dot(u_bar, wa_ref[...],
                         preferred_element_type=jnp.float32) + ba_ref[...]
        z_ref[...] = jax.nn.sigmoid(logits)


def _sc_topk_body(z_hbm, o_hbm, zv, ov, sem):
    wid = lax.axis_index("s") * 2 + lax.axis_index("c")
    b = wid // 8
    base = (wid % 8) * (CHUNKS_PER_W * L)
    pltpu.async_copy(z_hbm.at[b], zv, sem).wait()

    for ci in range(CHUNKS_PER_W):
        off = base + ci * L
        v = zv[pl.ds(off, L)]
        gidx = jax.lax.broadcasted_iota(jnp.int32, (L,), 0) + off
        zero = jnp.zeros((L,), jnp.int32)
        one = jnp.ones((L,), jnp.int32)

        def body(jc, cnt):
            w = zv[pl.ds(jc * L, L)]
            for k in range(L):
                s = w[k]
                c = jc * L + k
                gt = jnp.where(s > v, one, zero)
                tie = jnp.where((s == v) & (c < gidx), one, zero)
                cnt = cnt + gt + tie
            return cnt

        cnt = lax.fori_loop(0, C // L, body, zero)
        ov[pl.ds(ci * L, L)] = jnp.where(cnt < K, v, jnp.zeros((L,), jnp.float32))

    pltpu.async_copy(ov, o_hbm.at[b, pl.ds(base, CHUNKS_PER_W * L)], sem).wait()


def _dec_body(u_ref, z_ref, w_ref, b_ref, o_ref):
    bi = pl.program_id(0)
    u = u_ref[0]
    gated = u * z_ref[pl.ds(bi, 1), :]
    o = jnp.dot(gated, w_ref[...], preferred_element_type=jnp.float32)
    o_ref[0] = o + b_ref[...]


def _sc_topk(z):
    kern = pl.kernel(
        _sc_topk_body,
        out_type=jax.ShapeDtypeStruct((B, C), jnp.float32),
        mesh=plsc.VectorSubcoreMesh(core_axis_name="c", subcore_axis_name="s"),
        scratch_types=[
            pltpu.VMEM((C,), jnp.float32),
            pltpu.VMEM((CHUNKS_PER_W * L,), jnp.float32),
            pltpu.SemaphoreType.DMA,
        ],
    )
    return kern(z)


@jax.jit
def kernel(x, W_enc, b_enc, W_agg, b_agg, W_dec, b_dec):
    b_enc2 = b_enc.reshape(1, C)
    b_agg2 = b_agg.reshape(1, C)
    b_dec2 = b_dec.reshape(1, H)

    u, z = pl.pallas_call(
        _enc_body,
        grid=(B, NT),
        in_specs=[
            pl.BlockSpec((1, TN, H), lambda b, n: (b, n, 0)),
            pl.BlockSpec((H, C), lambda b, n: (0, 0)),
            pl.BlockSpec((1, C), lambda b, n: (0, 0)),
            pl.BlockSpec((C, C), lambda b, n: (0, 0)),
            pl.BlockSpec((1, C), lambda b, n: (0, 0)),
        ],
        out_specs=[
            pl.BlockSpec((1, TN, C), lambda b, n: (b, n, 0)),
            pl.BlockSpec((B, C), lambda b, n: (0, 0)),
        ],
        out_shape=[
            jax.ShapeDtypeStruct((B, N, C), jnp.float32),
            jax.ShapeDtypeStruct((B, C), jnp.float32),
        ],
        scratch_shapes=[pltpu.VMEM((B, C), jnp.float32)],
        compiler_params=pltpu.CompilerParams(
            dimension_semantics=("arbitrary", "arbitrary"),
        ),
    )(x, W_enc, b_enc2, W_agg, b_agg2)

    z_hat = _sc_topk(z)

    f_hat = pl.pallas_call(
        _dec_body,
        grid=(B, NT),
        in_specs=[
            pl.BlockSpec((1, TN, C), lambda b, n: (b, n, 0)),
            pl.BlockSpec((B, C), lambda b, n: (0, 0)),
            pl.BlockSpec((C, H), lambda b, n: (0, 0)),
            pl.BlockSpec((1, H), lambda b, n: (0, 0)),
        ],
        out_specs=pl.BlockSpec((1, TN, H), lambda b, n: (b, n, 0)),
        out_shape=jax.ShapeDtypeStruct((B, N, H), jnp.float32),
    )(u, z_hat, W_dec, b_dec2)

    return (f_hat, z_hat, u)

# --- scband reference (transcript-rebuilt; emitter-appended) ---
"""Pipeline reference for scband-set-con-ca-30030411334015 (READ-ONLY COPY).

The authoritative reference and input builder live on the scoring server;
editing this copy changes nothing except your own understanding.
"""

import jax, jax.numpy as jnp
import numpy as np

B = 4
N = 8192
HIDDEN_DIM = 768
CONCEPT_DIM = 256
USE_TOPK = True
K = 32


def setup_inputs(seed: int = 0) -> dict:
    key = jax.random.key(seed)
    ks = jax.random.split(key, 8)
    x = jax.random.normal(ks[0], (B, N, HIDDEN_DIM), dtype=jnp.float32)
    W_enc = jax.random.normal(ks[1], (HIDDEN_DIM, CONCEPT_DIM), dtype=jnp.float32) * (1.0 / np.sqrt(HIDDEN_DIM))
    b_enc = jnp.zeros((CONCEPT_DIM,), dtype=jnp.float32)
    W_agg = jax.random.normal(ks[2], (CONCEPT_DIM, CONCEPT_DIM), dtype=jnp.float32) * (1.0 / np.sqrt(CONCEPT_DIM))
    b_agg = jnp.zeros((CONCEPT_DIM,), dtype=jnp.float32)
    W_dec = jax.random.normal(ks[3], (CONCEPT_DIM, HIDDEN_DIM), dtype=jnp.float32) * (1.0 / np.sqrt(CONCEPT_DIM))
    b_dec = jnp.zeros((HIDDEN_DIM,), dtype=jnp.float32)
    return {"x": x, "W_enc": W_enc, "b_enc": b_enc, "W_agg": W_agg, "b_agg": b_agg, "W_dec": W_dec, "b_dec": b_dec}


def reference(x, W_enc, b_enc, W_agg, b_agg, W_dec, b_dec):
    # ElementEncoder: per-element projection into concept space
    u = jax.nn.relu(jnp.einsum('bnh,hc->bnc', x, W_enc) + b_enc)
    # SetAggregator: permutation-invariant mean pooling + concept activation
    u_bar = jnp.mean(u, axis=1)
    z_hat = jax.nn.sigmoid(u_bar @ W_agg + b_agg)
    # top-k concept masking (use_topk=True): keep only the k strongest concepts
    if USE_TOPK:
        topk_vals, topk_idx = jax.lax.top_k(z_hat, K)
        mask = jnp.zeros_like(z_hat)
        bidx = jnp.arange(z_hat.shape[0])[:, None]
        mask = mask.at[bidx, topk_idx].set(1.0)
        z_hat = z_hat * mask
    # DualDecoder: concept-gated reconstruction back to hidden space
    gated = u * z_hat[:, None, :]
    f_hat = jnp.einsum('bnc,ch->bnh', gated, W_dec) + b_dec
    return (f_hat, z_hat, u)

if __name__ == "__main__":
    import jax
    _d = setup_inputs()
    print(jax.jit(kernel)(*tuple(_d.values())))

</pallas_src>

<mosaic_0001>
#map = affine_map<(d0, d1) -> (0, 0)>
module attributes {stable_mosaic.version = 14 : i64} {
  func.func @_sc_topk_body(%arg0: i32, %arg1: i32, %arg2: memref<4x256xf32, #tpu.memory_space<hbm>>, %arg3: memref<4x256xf32, #tpu.memory_space<hbm>>, %arg4: memref<256xf32, #tpu.memory_space<vmem>>, %arg5: memref<32xf32, #tpu.memory_space<vmem>>, %arg6: memref<!tpu.dma_semaphore, #tpu.memory_space<semaphore_mem>>) attributes {dimension_semantics = [#tpu.dimension_semantics<core_parallel>, #tpu.dimension_semantics<subcore_parallel>], iteration_bounds = array<i64: 2, 16>, scalar_prefetch = 0 : i64, scratch_operands = 3 : i64, tpu.core_type = #tpu.core_type<sc_vector_subcore>, window_params = [{transform_indices = #map}, {transform_indices = #map}]} {
    %mul3A = arith.constant 2 : i32
    %mul3A_0 = arith.muli %arg1, %mul3A : i32
    %add3A = arith.addi %mul3A_0, %arg0 : i32
    %jit3A = arith.constant 8 : i32
    %div3A = arith.divsi %add3A, %jit3A : i32
    %sign3A = arith.constant 0 : i32
    %sign3A_1 = arith.cmpi sgt, %add3A, %sign3A : i32
    %sign3A_2 = arith.extui %sign3A_1 : i1 to i32
    %sign3A_3 = arith.constant 0 : i32
    %sign3A_4 = arith.cmpi slt, %add3A, %sign3A_3 : i32
    %sign3A_5 = arith.extui %sign3A_4 : i1 to i32
    %sign3A_6 = arith.subi %sign3A_2, %sign3A_5 : i32
    %sign3A_7 = arith.constant 0 : i32
    %sign3A_8 = arith.cmpi sgt, %jit3A, %sign3A_7 : i32
    %sign3A_9 = arith.extui %sign3A_8 : i1 to i32
    %sign3A_10 = arith.constant 0 : i32
    %sign3A_11 = arith.cmpi slt, %jit3A, %sign3A_10 : i32
    %sign3A_12 = arith.extui %sign3A_11 : i1 to i32
    %sign3A_13 = arith.subi %sign3A_9, %sign3A_12 : i32
    %ne3A = arith.cmpi ne, %sign3A_6, %sign3A_13 : i32
    %rem3A = arith.remsi %add3A, %jit3A : i32
    %ne3A_14 = arith.constant 0 : i32
    %ne3A_15 = arith.cmpi ne, %rem3A, %ne3A_14 : i32
    %and3A = arith.andi %ne3A, %ne3A_15 : i1
    %sub3A = arith.constant 1 : i32
    %sub3A_16 = arith.subi %div3A, %sub3A : i32
    %select_n3A = arith.select %and3A, %sub3A_16, %div3A : i32
    %jit3A_17 = arith.constant 8 : i32
    %eq3A = arith.constant 0 : i32
    %eq3A_18 = arith.cmpi eq, %jit3A_17, %eq3A : i32
    %jit3A_19 = arith.constant 1 : i32
    %select_n3A_20 = arith.select %eq3A_18, %jit3A_19, %jit3A_17 : i32
    %rem3A_21 = arith.remsi %add3A, %select_n3A_20 : i32
    %ne3A_22 = arith.constant 0 : i32
    %ne3A_23 = arith.cmpi ne, %rem3A_21, %ne3A_22 : i32
    %lt3A = arith.constant 0 : i32
    %lt3A_24 = arith.cmpi slt, %rem3A_21, %lt3A : i32
    %lt3A_25 = arith.constant 0 : i32
    %lt3A_26 = arith.cmpi slt, %select_n3A_20, %lt3A_25 : i32
    %ne3A_27 = arith.xori %lt3A_24, %lt3A_26 : i1
    %and3A_28 = arith.andi %ne3A_27, %ne3A_23 : i1
    %add3A_29 = arith.addi %rem3A_21, %select_n3A_20 : i32
    %select_n3A_30 = arith.select %and3A_28, %add3A_29, %rem3A_21 : i32
    %mul3A_31 = arith.constant 32 : i32
    %mul3A_32 = arith.muli %select_n3A_30, %mul3A_31 : i32
    %dma_start3A = arith.constant 0 : i32
    %dma_start3A_33 = tpu.memref_slice %arg2[%select_n3A, %dma_start3A] : memref<4x256xf32, #tpu.memory_space<hbm>> -> memref<1x256xf32, #tpu.memory_space<hbm>>
    %dma_start3A_34 = tpu.memref_squeeze %dma_start3A_33 : memref<1x256xf32, #tpu.memory_space<hbm>> -> memref<256xf32, #tpu.memory_space<hbm>>
    %dma_start3A_35 = arith.constant 0 : i32
    %dma_start3A_36 = tpu.memref_slice %arg2[%select_n3A, %dma_start3A_35] : memref<4x256xf32, #tpu.memory_space<hbm>> -> memref<1x256xf32, #tpu.memory_space<hbm>>
    %dma_start3A_37 = tpu.memref_squeeze %dma_start3A_36 : memref<1x256xf32, #tpu.memory_space<hbm>> -> memref<256xf32, #tpu.memory_space<hbm>>
    tpu.enqueue_dma source(%dma_start3A_37 : memref<256xf32, #tpu.memory_space<hbm>>) target(%arg4 : memref<256xf32, #tpu.memory_space<vmem>>) target_semaphore(%arg6 : memref<!tpu.dma_semaphore, #tpu.memory_space<semaphore_mem>>)
    %dma_wait3A = arith.constant 0 : i32
    %dma_wait3A_38 = tpu.memref_slice %arg2[%select_n3A, %dma_wait3A] : memref<4x256xf32, #tpu.memory_space<hbm>> -> memref<1x256xf32, #tpu.memory_space<hbm>>
    %dma_wait3A_39 = tpu.memref_squeeze %dma_wait3A_38 : memref<1x256xf32, #tpu.memory_space<hbm>> -> memref<256xf32, #tpu.memory_space<hbm>>
    %dma_wait3A_40 = arith.constant 0 : i32
    %dma_wait3A_41 = tpu.memref_slice %arg2[%select_n3A, %dma_wait3A_40] : memref<4x256xf32, #tpu.memory_space<hbm>> -> memref<1x256xf32, #tpu.memory_space<hbm>>
    %dma_wait3A_42 = tpu.memref_squeeze %dma_wait3A_41 : memref<1x256xf32, #tpu.memory_space<hbm>> -> memref<256xf32, #tpu.memory_space<hbm>>
    tpu.wait_dma2 semaphore(%arg6 : memref<!tpu.dma_semaphore, #tpu.memory_space<semaphore_mem>>) src(%dma_wait3A_42 : memref<256xf32, #tpu.memory_space<hbm>>) dst(%arg4 : memref<256xf32, #tpu.memory_space<vmem>>)
    %add3A_43 = arith.constant 0 : i32
    %add3A_44 = arith.addi %mul3A_32, %add3A_43 : i32
    %get3A = arith.index_cast %add3A_44 : i32 to index
    %get3A_45 = tpu.vector_load %arg4[%get3A] {strides = array<i32>} : memref<256xf32, #tpu.memory_space<vmem>>, vector<16xf32>,
    %get3A_46 = vector.shape_cast %get3A_45 : vector<16xf32> to vector<16xf32>
    %iota3A = tpu.iota {dimensions = array<i32: 0>} : vector<16xi32>
    %add3A_47 = vector.broadcast %add3A_44 : i32 to vector<16xi32>
    %add3A_48 = arith.addi %iota3A, %add3A_47 : vector<16xi32>
    %broadcast_in_dim3A = arith.constant 0 : i32
    %broadcast_in_dim3A_49 = vector.broadcast %broadcast_in_dim3A : i32 to vector<16xi32>
    %broadcast_in_dim3A_50 = arith.constant 1 : i32
    %broadcast_in_dim3A_51 = vector.broadcast %broadcast_in_dim3A_50 : i32 to vector<16xi32>
    %scan3A = arith.constant 0 : i32
    %scan3A_52 = arith.constant 16 : i32
    %scan3A_53 = arith.addi %scan3A, %scan3A_52 : i32
    %scan3A_54 = arith.constant 1 : i32
    %scan3A_55 = scf.for %scan3A_102 = %scan3A to %scan3A_53 step %scan3A_54 iter_args(%scan3A_103 = %broadcast_in_dim3A_49) -> (vector<16xi32>)  : i32 {
      %mul3A_104 = arith.constant 16 : i32
      %mul3A_105 = arith.muli %scan3A_102, %mul3A_104 : i32
      %get3A_106 = arith.index_cast %mul3A_105 : i32 to index
      %get3A_107 = tpu.vector_load %arg4[%get3A_106] {strides = array<i32>} : memref<256xf32, #tpu.memory_space<vmem>>, vector<16xf32>,
      %get3A_108 = vector.shape_cast %get3A_107 : vector<16xf32> to vector<16xf32>
      %slice3A = vector.extract_strided_slice %get3A_108 {offsets = [0], sizes = [1], strides = [1]} : vector<16xf32> to vector<1xf32>
      %squeeze3A = vector.extract %slice3A[0] : f32 from vector<1xf32>
      %mul3A_109 = arith.constant 16 : i32
      %mul3A_110 = arith.muli %scan3A_102, %mul3A_109 : i32
      %add3A_111 = arith.constant 0 : i32
      %add3A_112 = arith.addi %mul3A_110, %add3A_111 : i32
      %gt3A = vector.broadcast %squeeze3A : f32 to vector<16xf32>
      %gt3A_113 = arith.cmpf ogt, %gt3A, %get3A_46 : vector<16xf32>
      %select_n3A_114 = arith.select %gt3A_113, %broadcast_in_dim3A_51, %broadcast_in_dim3A_49 : vector<16xi1>, vector<16xi32>
      %eq3A_115 = vector.broadcast %squeeze3A : f32 to vector<16xf32>
      %eq3A_116 = arith.cmpf oeq, %eq3A_115, %get3A_46 : vector<16xf32>
      %lt3A_117 = vector.broadcast %add3A_112 : i32 to vector<16xi32>
      %lt3A_118 = arith.cmpi slt, %lt3A_117, %add3A_48 : vector<16xi32>
      %and3A_119 = arith.andi %eq3A_116, %lt3A_118 : vector<16xi1>
      %select_n3A_120 = arith.select %and3A_119, %broadcast_in_dim3A_51, %broadcast_in_dim3A_49 : vector<16xi1>, vector<16xi32>
      %add3A_121 = arith.addi %scan3A_103, %select_n3A_114 : vector<16xi32>
      %add3A_122 = arith.addi %add3A_121, %select_n3A_120 : vector<16xi32>
      %slice3A_123 = vector.extract_strided_slice %get3A_108 {offsets = [1], sizes = [1], strides = [1]} : vector<16xf32> to vector<1xf32>
      %squeeze3A_124 = vector.extract %slice3A_123[0] : f32 from vector<1xf32>
      %mul3A_125 = arith.constant 16 : i32
      %mul3A_126 = arith.muli %scan3A_102, %mul3A_125 : i32
      %add3A_127 = arith.constant 1 : i32
      %add3A_128 = arith.addi %mul3A_126, %add3A_127 : i32
      %gt3A_129 = vector.broadcast %squeeze3A_124 : f32 to vector<16xf32>
      %gt3A_130 = arith.cmpf ogt, %gt3A_129, %get3A_46 : vector<16xf32>
      %select_n3A_131 = arith.select %gt3A_130, %broadcast_in_dim3A_51, %broadcast_in_dim3A_49 : vector<16xi1>, vector<16xi32>
      %eq3A_132 = vector.broadcast %squeeze3A_124 : f32 to vector<16xf32>
      %eq3A_133 = arith.cmpf oeq, %eq3A_132, %get3A_46 : vector<16xf32>
      %lt3A_134 = vector.broadcast %add3A_128 : i32 to vector<16xi32>
      %lt3A_135 = arith.cmpi slt, %lt3A_134, %add3A_48 : vector<16xi32>
      %and3A_136 = arith.andi %eq3A_133, %lt3A_135 : vector<16xi1>
      %select_n3A_137 = arith.select %and3A_136, %broadcast_in_dim3A_51, %broadcast_in_dim3A_49 : vector<16xi1>, vector<16xi32>
      %add3A_138 = arith.addi %add3A_122, %select_n3A_131 : vector<16xi32>
      %add3A_139 = arith.addi %add3A_138, %select_n3A_137 : vector<16xi32>
      %slice3A_140 = vector.extract_strided_slice %get3A_108 {offsets = [2], sizes = [1], strides = [1]} : vector<16xf32> to vector<1xf32>
      %squeeze3A_141 = vector.extract %slice3A_140[0] : f32 from vector<1xf32>
      %mul3A_142 = arith.constant 16 : i32
      %mul3A_143 = arith.muli %scan3A_102, %mul3A_142 : i32
      %add3A_144 = arith.constant 2 : i32
      %add3A_145 = arith.addi %mul3A_143, %add3A_144 : i32
      %gt3A_146 = vector.broadcast %squeeze3A_141 : f32 to vector<16xf32>
      %gt3A_147 = arith.cmpf ogt, %gt3A_146, %get3A_46 : vector<16xf32>
      %select_n3A_148 = arith.select %gt3A_147, %broadcast_in_dim3A_51, %broadcast_in_dim3A_49 : vector<16xi1>, vector<16xi32>
      %eq3A_149 = vector.broadcast %squeeze3A_141 : f32 to vector<16xf32>
      %eq3A_150 = arith.cmpf oeq, %eq3A_149, %get3A_46 : vector<16xf32>
      %lt3A_151 = vector.broadcast %add3A_145 : i32 to vector<16xi32>
      %lt3A_152 = arith.cmpi slt, %lt3A_151, %add3A_48 : vector<16xi32>
      %and3A_153 = arith.andi %eq3A_150, %lt3A_152 : vector<16xi1>
      %select_n3A_154 = arith.select %and3A_153, %broadcast_in_dim3A_51, %broadcast_in_dim3A_49 : vector<16xi1>, vector<16xi32>
      %add3A_155 = arith.addi %add3A_139, %select_n3A_148 : vector<16xi32>
      %add3A_156 = arith.addi %add3A_155, %select_n3A_154 : vector<16xi32>
      %slice3A_157 = vector.extract_strided_slice %get3A_108 {offsets = [3], sizes = [1], strides = [1]} : vector<16xf32> to vector<1xf32>
      %squeeze3A_158 = vector.extract %slice3A_157[0] : f32 from vector<1xf32>
      %mul3A_159 = arith.constant 16 : i32
      %mul3A_160 = arith.muli %scan3A_102, %mul3A_159 : i32
      %add3A_161 = arith.constant 3 : i32
      %add3A_162 = arith.addi %mul3A_160, %add3A_161 : i32
      %gt3A_163 = vector.broadcast %squeeze3A_158 : f32 to vector<16xf32>
      %gt3A_164 = arith.cmpf ogt, %gt3A_163, %get3A_46 : vector<16xf32>
      %select_n3A_165 = arith.select %gt3A_164, %broadcast_in_dim3A_51, %broadcast_in_dim3A_49 : vector<16xi1>, vector<16xi32>
      %eq3A_166 = vector.broadcast %squeeze3A_158 : f32 to vector<16xf32>
      %eq3A_167 = arith.cmpf oeq, %eq3A_166, %get3A_46 : vector<16xf32>
      %lt3A_168 = vector.broadcast %add3A_162 : i32 to vector<16xi32>
      %lt3A_169 = arith.cmpi slt, %lt3A_168, %add3A_48 : vector<16xi32>
      %and3A_170 = arith.andi %eq3A_167, %lt3A_169 : vector<16xi1>
      %select_n3A_171 = arith.select %and3A_170, %broadcast_in_dim3A_51, %broadcast_in_dim3A_49 : vector<16xi1>, vector<16xi32>
      %add3A_172 = arith.addi %add3A_156, %select_n3A_165 : vector<16xi32>
      %add3A_173 = arith.addi %add3A_172, %select_n3A_171 : vector<16xi32>
      %slice3A_174 = vector.extract_strided_slice %get3A_108 {offsets = [4], sizes = [1], strides = [1]} : vector<16xf32> to vector<1xf32>
      %squeeze3A_175 = vector.extract %slice3A_174[0] : f32 from vector<1xf32>
      %mul3A_176 = arith.constant 16 : i32
      %mul3A_177 = arith.muli %scan3A_102, %mul3A_176 : i32
      %add3A_178 = arith.constant 4 : i32
      %add3A_179 = arith.addi %mul3A_177, %add3A_178 : i32
      %gt3A_180 = vector.broadcast %squeeze3A_175 : f32 to vector<16xf32>
      %gt3A_181 = arith.cmpf ogt, %gt3A_180, %get3A_46 : vector<16xf32>
      %select_n3A_182 = arith.select %gt3A_181, %broadcast_in_dim3A_51, %broadcast_in_dim3A_49 : vector<16xi1>, vector<16xi32>
      %eq3A_183 = vector.broadcast %squeeze3A_175 : f32 to vector<16xf32>
      %eq3A_184 = arith.cmpf oeq, %eq3A_183, %get3A_46 : vector<16xf32>
      %lt3A_185 = vector.broadcast %add3A_179 : i32 to vector<16xi32>
      %lt3A_186 = arith.cmpi slt, %lt3A_185, %add3A_48 : vector<16xi32>
      %and3A_187 = arith.andi %eq3A_184, %lt3A_186 : vector<16xi1>
      %select_n3A_188 = arith.select %and3A_187, %broadcast_in_dim3A_51, %broadcast_in_dim3A_49 : vector<16xi1>, vector<16xi32>
      %add3A_189 = arith.addi %add3A_173, %select_n3A_182 : vector<16xi32>
      %add3A_190 = arith.addi %add3A_189, %select_n3A_188 : vector<16xi32>
      %slice3A_191 = vector.extract_strided_slice %get3A_108 {offsets = [5], sizes = [1], strides = [1]} : vector<16xf32> to vector<1xf32>
      %squeeze3A_192 = vector.extract %slice3A_191[0] : f32 from vector<1xf32>
      %mul3A_193 = arith.constant 16 : i32
      %mul3A_194 = arith.muli %scan3A_102, %mul3A_193 : i32
      %add3A_195 = arith.constant 5 : i32
      %add3A_196 = arith.addi %mul3A_194, %add3A_195 : i32
      %gt3A_197 = vector.broadcast %squeeze3A_192 : f32 to vector<16xf32>
      %gt3A_198 = arith.cmpf ogt, %gt3A_197, %get3A_46 : vector<16xf32>
      %select_n3A_199 = arith.select %gt3A_198, %broadcast_in_dim3A_51, %broadcast_in_dim3A_49 : vector<16xi1>, vector<16xi32>
      %eq3A_200 = vector.broadcast %squeeze3A_192 : f32 to vector<16xf32>
      %eq3A_201 = arith.cmpf oeq, %eq3A_200, %get3A_46 : vector<16xf32>
      %lt3A_202 = vector.broadcast %add3A_196 : i32 to vector<16xi32>
      %lt3A_203 = arith.cmpi slt, %lt3A_202, %add3A_48 : vector<16xi32>
      %and3A_204 = arith.andi %eq3A_201, %lt3A_203 : vector<16xi1>
      %select_n3A_205 = arith.select %and3A_204, %broadcast_in_dim3A_51, %broadcast_in_dim3A_49 : vector<16xi1>, vector<16xi32>
      %add3A_206 = arith.addi %add3A_190, %select_n3A_199 : vector<16xi32>
      %add3A_207 = arith.addi %add3A_206, %select_n3A_205 : vector<16xi32>
      %slice3A_208 = vector.extract_strided_slice %get3A_108 {offsets = [6], sizes = [1], strides = [1]} : vector<16xf32> to vector<1xf32>
      %squeeze3A_209 = vector.extract %slice3A_208[0] : f32 from vector<1xf32>
      %mul3A_210 = arith.constant 16 : i32
      %mul3A_211 = arith.muli %scan3A_102, %mul3A_210 : i32
      %add3A_212 = arith.constant 6 : i32
      %add3A_213 = arith.addi %mul3A_211, %add3A_212 : i32
      %gt3A_214 = vector.broadcast %squeeze3A_209 : f32 to vector<16xf32>
      %gt3A_215 = arith.cmpf ogt, %gt3A_214, %get3A_46 : vector<16xf32>
      %select_n3A_216 = arith.select %gt3A_215, %broadcast_in_dim3A_51, %broadcast_in_dim3A_49 : vector<16xi1>, vector<16xi32>
      %eq3A_217 = vector.broadcast %squeeze3A_209 : f32 to vector<16xf32>
      %eq3A_218 = arith.cmpf oeq, %eq3A_217, %get3A_46 : vector<16xf32>
      %lt3A_219 = vector.broadcast %add3A_213 : i32 to vector<16xi32>
      %lt3A_220 = arith.cmpi slt, %lt3A_219, %add3A_48 : vector<16xi32>
      %and3A_221 = arith.andi %eq3A_218, %lt3A_220 : vector<16xi1>
      %select_n3A_222 = arith.select %and3A_221, %broadcast_in_dim3A_51, %broadcast_in_dim3A_49 : vector<16xi1>, vector<16xi32>
      %add3A_223 = arith.addi %add3A_207, %select_n3A_216 : vector<16xi32>
      %add3A_224 = arith.addi %add3A_223, %select_n3A_222 : vector<16xi32>
      %slice3A_225 = vector.extract_strided_slice %get3A_108 {offsets = [7], sizes = [1], strides = [1]} : vector<16xf32> to vector<1xf32>
      %squeeze3A_226 = vector.extract %slice3A_225[0] : f32 from vector<1xf32>
      %mul3A_227 = arith.constant 16 : i32
      %mul3A_228 = arith.muli %scan3A_102, %mul3A_227 : i32
      %add3A_229 = arith.constant 7 : i32
      %add3A_230 = arith.addi %mul3A_228, %add3A_229 : i32
      %gt3A_231 = vector.broadcast %squeeze3A_226 : f32 to vector<16xf32>
      %gt3A_232 = arith.cmpf ogt, %gt3A_231, %get3A_46 : vector<16xf32>
      %select_n3A_233 = arith.select %gt3A_232, %broadcast_in_dim3A_51, %broadcast_in_dim3A_49 : vector<16xi1>, vector<16xi32>
      %eq3A_234 = vector.broadcast %squeeze3A_226 : f32 to vector<16xf32>
      %eq3A_235 = arith.cmpf oeq, %eq3A_234, %get3A_46 : vector<16xf32>
      %lt3A_236 = vector.broadcast %add3A_230 : i32 to vector<16xi32>
      %lt3A_237 = arith.cmpi slt, %lt3A_236, %add3A_48 : vector<16xi32>
      %and3A_238 = arith.andi %eq3A_235, %lt3A_237 : vector<16xi1>
      %select_n3A_239 = arith.select %and3A_238, %broadcast_in_dim3A_51, %broadcast_in_dim3A_49 : vector<16xi1>, vector<16xi32>
      %add3A_240 = arith.addi %add3A_224, %select_n3A_233 : vector<16xi32>
      %add3A_241 = arith.addi %add3A_240, %select_n3A_239 : vector<16xi32>
      %slice3A_242 = vector.extract_strided_slice %get3A_108 {offsets = [8], sizes = [1], strides = [1]} : vector<16xf32> to vector<1xf32>
      %squeeze3A_243 = vector.extract %slice3A_242[0] : f32 from vector<1xf32>
      %mul3A_244 = arith.constant 16 : i32
      %mul3A_245 = arith.muli %scan3A_102, %mul3A_244 : i32
      %add3A_246 = arith.constant 8 : i32
      %add3A_247 = arith.addi %mul3A_245, %add3A_246 : i32
      %gt3A_248 = vector.broadcast %squeeze3A_243 : f32 to vector<16xf32>
      %gt3A_249 = arith.cmpf ogt, %gt3A_248, %get3A_46 : vector<16xf32>
      %select_n3A_250 = arith.select %gt3A_249, %broadcast_in_dim3A_51, %broadcast_in_dim3A_49 : vector<16xi1>, vector<16xi32>
      %eq3A_251 = vector.broadcast %squeeze3A_243 : f32 to vector<16xf32>
      %eq3A_252 = arith.cmpf oeq, %eq3A_251, %get3A_46 : vector<16xf32>
      %lt3A_253 = vector.broadcast %add3A_247 : i32 to vector<16xi32>
      %lt3A_254 = arith.cmpi slt, %lt3A_253, %add3A_48 : vector<16xi32>
      %and3A_255 = arith.andi %eq3A_252, %lt3A_254 : vector<16xi1>
      %select_n3A_256 = arith.select %and3A_255, %broadcast_in_dim3A_51, %broadcast_in_dim3A_49 : vector<16xi1>, vector<16xi32>
      %add3A_257 = arith.addi %add3A_241, %select_n3A_250 : vector<16xi32>
      %add3A_258 = arith.addi %add3A_257, %select_n3A_256 : vector<16xi32>
      %slice3A_259 = vector.extract_strided_slice %get3A_108 {offsets = [9], sizes = [1], strides = [1]} : vector<16xf32> to vector<1xf32>
      %squeeze3A_260 = vector.extract %slice3A_259[0] : f32 from vector<1xf32>
      %mul3A_261 = arith.constant 16 : i32
      %mul3A_262 = arith.muli %scan3A_102, %mul3A_261 : i32
      %add3A_263 = arith.constant 9 : i32
      %add3A_264 = arith.addi %mul3A_262, %add3A_263 : i32
      %gt3A_265 = vector.broadcast %squeeze3A_260 : f32 to vector<16xf32>
      %gt3A_266 = arith.cmpf ogt, %gt3A_265, %get3A_46 : vector<16xf32>
      %select_n3A_267 = arith.select %gt3A_266, %broadcast_in_dim3A_51, %broadcast_in_dim3A_49 : vector<16xi1>, vector<16xi32>
      %eq3A_268 = vector.broadcast %squeeze3A_260 : f32 to vector<16xf32>
      %eq3A_269 = arith.cmpf oeq, %eq3A_268, %get3A_46 : vector<16xf32>
      %lt3A_270 = vector.broadcast %add3A_264 : i32 to vector<16xi32>
      %lt3A_271 = arith.cmpi slt, %lt3A_270, %add3A_48 : vector<16xi32>
      %and3A_272 = arith.andi %eq3A_269, %lt3A_271 : vector<16xi1>
      %select_n3A_273 = arith.select %and3A_272, %broadcast_in_dim3A_51, %broadcast_in_dim3A_49 : vector<16xi1>, vector<16xi32>
      %add3A_274 = arith.addi %add3A_258, %select_n3A_267 : vector<16xi32>
      %add3A_275 = arith.addi %add3A_274, %select_n3A_273 : vector<16xi32>
      %slice3A_276 = vector.extract_strided_slice %get3A_108 {offsets = [10], sizes = [1], strides = [1]} : vector<16xf32> to vector<1xf32>
      %squeeze3A_277 = vector.extract %slice3A_276[0] : f32 from vector<1xf32>
      %mul3A_278 = arith.constant 16 : i32
      %mul3A_279 = arith.muli %scan3A_102, %mul3A_278 : i32
      %add3A_280 = arith.constant 10 : i32
      %add3A_281 = arith.addi %mul3A_279, %add3A_280 : i32
      %gt3A_282 = vector.broadcast %squeeze3A_277 : f32 to vector<16xf32>
      %gt3A_283 = arith.cmpf ogt, %gt3A_282, %get3A_46 : vector<16xf32>
      %select_n3A_284 = arith.select %gt3A_283, %broadcast_in_dim3A_51, %broadcast_in_dim3A_49 : vector<16xi1>, vector<16xi32>
      %eq3A_285 = vector.broadcast %squeeze3A_277 : f32 to vector<16xf32>
      %eq3A_286 = arith.cmpf oeq, %eq3A_285, %get3A_46 : vector<16xf32>
      %lt3A_287 = vector.broadcast %add3A_281 : i32 to vector<16xi32>
      %lt3A_288 = arith.cmpi slt, %lt3A_287, %add3A_48 : vector<16xi32>
      %and3A_289 = arith.andi %eq3A_286, %lt3A_288 : vector<16xi1>
      %select_n3A_290 = arith.select %and3A_289, %broadcast_in_dim3A_51, %broadcast_in_dim3A_49 : vector<16xi1>, vector<16xi32>
      %add3A_291 = arith.addi %add3A_275, %select_n3A_284 : vector<16xi32>
      %add3A_292 = arith.addi %add3A_291, %select_n3A_290 : vector<16xi32>
      %slice3A_293 = vector.extract_strided_slice %get3A_108 {offsets = [11], sizes = [1], strides = [1]} : vector<16xf32> to vector<1xf32>
      %squeeze3A_294 = vector.extract %slice3A_293[0] : f32 from vector<1xf32>
      %mul3A_295 = arith.constant 16 : i32
      %mul3A_296 = arith.muli %scan3A_102, %mul3A_295 : i32
      %add3A_297 = arith.constant 11 : i32
      %add3A_298 = arith.addi %mul3A_296, %add3A_297 : i32
      %gt3A_299 = vector.broadcast %squeeze3A_294 : f32 to vector<16xf32>
      %gt3A_300 = arith.cmpf ogt, %gt3A_299, %get3A_46 : vector<16xf32>
      %select_n3A_301 = arith.select %gt3A_300, %broadcast_in_dim3A_51, %broadcast_in_dim3A_49 : vector<16xi1>, vector<16xi32>
      %eq3A_302 = vector.broadcast %squeeze3A_294 : f32 to vector<16xf32>
      %eq3A_303 = arith.cmpf oeq, %eq3A_302, %get3A_46 : vector<16xf32>
      %lt3A_304 = vector.broadcast %add3A_298 : i32 to vector<16xi32>
      %lt3A_305 = arith.cmpi slt, %lt3A_304, %add3A_48 : vector<16xi32>
      %and3A_306 = arith.andi %eq3A_303, %lt3A_305 : vector<16xi1>
      %select_n3A_307 = arith.select %and3A_306, %broadcast_in_dim3A_51, %broadcast_in_dim3A_49 : vector<16xi1>, vector<16xi32>
      %add3A_308 = arith.addi %add3A_292, %select_n3A_301 : vector<16xi32>
      %add3A_309 = arith.addi %add3A_308, %select_n3A_307 : vector<16xi32>
      %slice3A_310 = vector.extract_strided_slice %get3A_108 {offsets = [12], sizes = [1], strides = [1]} : vector<16xf32> to vector<1xf32>
      %squeeze3A_311 = vector.extract %slice3A_310[0] : f32 from vector<1xf32>
      %mul3A_312 = arith.constant 16 : i32
      %mul3A_313 = arith.muli %scan3A_102, %mul3A_312 : i32
      %add3A_314 = arith.constant 12 : i32
      %add3A_315 = arith.addi %mul3A_313, %add3A_314 : i32
      %gt3A_316 = vector.broadcast %squeeze3A_311 : f32 to vector<16xf32>
      %gt3A_317 = arith.cmpf ogt, %gt3A_316, %get3A_46 : vector<16xf32>
      %select_n3A_318 = arith.select %gt3A_317, %broadcast_in_dim3A_51, %broadcast_in_dim3A_49 : vector<16xi1>, vector<16xi32>
      %eq3A_319 = vector.broadcast %squeeze3A_311 : f32 to vector<16xf32>
      %eq3A_320 = arith.cmpf oeq, %eq3A_319, %get3A_46 : vector<16xf32>
      %lt3A_321 = vector.broadcast %add3A_315 : i32 to vector<16xi32>
      %lt3A_322 = arith.cmpi slt, %lt3A_321, %add3A_48 : vector<16xi32>
      %and3A_323 = arith.andi %eq3A_320, %lt3A_322 : vector<16xi1>
      %select_n3A_324 = arith.select %and3A_323, %broadcast_in_dim3A_51, %broadcast_in_dim3A_49 : vector<16xi1>, vector<16xi32>
      %add3A_325 = arith.addi %add3A_309, %select_n3A_318 : vector<16xi32>
      %add3A_326 = arith.addi %add3A_325, %select_n3A_324 : vector<16xi32>
      %slice3A_327 = vector.extract_strided_slice %get3A_108 {offsets = [13], sizes = [1], strides = [1]} : vector<16xf32> to vector<1xf32>
      %squeeze3A_328 = vector.extract %slice3A_327[0] : f32 from vector<1xf32>
      %mul3A_329 = arith.constant 16 : i32
      %mul3A_330 = arith.muli %scan3A_102, %mul3A_329 : i32
      %add3A_331 = arith.constant 13 : i32
      %add3A_332 = arith.addi %mul3A_330, %add3A_331 : i32
      %gt3A_333 = vector.broadcast %squeeze3A_328 : f32 to vector<16xf32>
      %gt3A_334 = arith.cmpf ogt, %gt3A_333, %get3A_46 : vector<16xf32>
      %select_n3A_335 = arith.select %gt3A_334, %broadcast_in_dim3A_51, %broadcast_in_dim3A_49 : vector<16xi1>, vector<16xi32>
      %eq3A_336 = vector.broadcast %squeeze3A_328 : f32 to vector<16xf32>
      %eq3A_337 = arith.cmpf oeq, %eq3A_336, %get3A_46 : vector<16xf32>
      %lt3A_338 = vector.broadcast %add3A_332 : i32 to vector<16xi32>
      %lt3A_339 = arith.cmpi slt, %lt3A_338, %add3A_48 : vector<16xi32>
      %and3A_340 = arith.andi %eq3A_337, %lt3A_339 : vector<16xi1>
      %select_n3A_341 = arith.select %and3A_340, %broadcast_in_dim3A_51, %broadcast_in_dim3A_49 : vector<16xi1>, vector<16xi32>
      %add3A_342 = arith.addi %add3A_326, %select_n3A_335 : vector<16xi32>
      %add3A_343 = arith.addi %add3A_342, %select_n3A_341 : vector<16xi32>
      %slice3A_344 = vector.extract_strided_slice %get3A_108 {offsets = [14], sizes = [1], strides = [1]} : vector<16xf32> to vector<1xf32>
      %squeeze3A_345 = vector.extract %slice3A_344[0] : f32 from vector<1xf32>
      %mul3A_346 = arith.constant 16 : i32
      %mul3A_347 = arith.muli %scan3A_102, %mul3A_346 : i32
      %add3A_348 = arith.constant 14 : i32
      %add3A_349 = arith.addi %mul3A_347, %add3A_348 : i32
      %gt3A_350 = vector.broadcast %squeeze3A_345 : f32 to vector<16xf32>
      %gt3A_351 = arith.cmpf ogt, %gt3A_350, %get3A_46 : vector<16xf32>
      %select_n3A_352 = arith.select %gt3A_351, %broadcast_in_dim3A_51, %broadcast_in_dim3A_49 : vector<16xi1>, vector<16xi32>
      %eq3A_353 = vector.broadcast %squeeze3A_345 : f32 to vector<16xf32>
      %eq3A_354 = arith.cmpf oeq, %eq3A_353, %get3A_46 : vector<16xf32>
      %lt3A_355 = vector.broadcast %add3A_349 : i32 to vector<16xi32>
      %lt3A_356 = arith.cmpi slt, %lt3A_355, %add3A_48 : vector<16xi32>
      %and3A_357 = arith.andi %eq3A_354, %lt3A_356 : vector<16xi1>
      %select_n3A_358 = arith.select %and3A_357, %broadcast_in_dim3A_51, %broadcast_in_dim3A_49 : vector<16xi1>, vector<16xi32>
      %add3A_359 = arith.addi %add3A_343, %select_n3A_352 : vector<16xi32>
      %add3A_360 = arith.addi %add3A_359, %select_n3A_358 : vector<16xi32>
      %slice3A_361 = vector.extract_strided_slice %get3A_108 {offsets = [15], sizes = [1], strides = [1]} : vector<16xf32> to vector<1xf32>
      %squeeze3A_362 = vector.extract %slice3A_361[0] : f32 from vector<1xf32>
      %mul3A_363 = arith.constant 16 : i32
      %mul3A_364 = arith.muli %scan3A_102, %mul3A_363 : i32
      %add3A_365 = arith.constant 15 : i32
      %add3A_366 = arith.addi %mul3A_364, %add3A_365 : i32
      %gt3A_367 = vector.broadcast %squeeze3A_362 : f32 to vector<16xf32>
      %gt3A_368 = arith.cmpf ogt, %gt3A_367, %get3A_46 : vector<16xf32>
      %select_n3A_369 = arith.select %gt3A_368, %broadcast_in_dim3A_51, %broadcast_in_dim3A_49 : vector<16xi1>, vector<16xi32>
      %eq3A_370 = vector.broadcast %squeeze3A_362 : f32 to vector<16xf32>
      %eq3A_371 = arith.cmpf oeq, %eq3A_370, %get3A_46 : vector<16xf32>
      %lt3A_372 = vector.broadcast %add3A_366 : i32 to vector<16xi32>
      %lt3A_373 = arith.cmpi slt, %lt3A_372, %add3A_48 : vector<16xi32>
      %and3A_374 = arith.andi %eq3A_371, %lt3A_373 : vector<16xi1>
      %select_n3A_375 = arith.select %and3A_374, %broadcast_in_dim3A_51, %broadcast_in_dim3A_49 : vector<16xi1>, vector<16xi32>
      %add3A_376 = arith.addi %add3A_360, %select_n3A_369 : vector<16xi32>
      %add3A_377 = arith.addi %add3A_376, %select_n3A_375 : vector<16xi32>
      scf.yield %add3A_377 : vector<16xi32>
    }
    %scan3A_56 = arith.constant 16 : i32
    %lt3A_57 = arith.constant 32 : i32
    %lt3A_58 = vector.broadcast %lt3A_57 : i32 to vector<16xi32>
    %lt3A_59 = arith.cmpi slt, %scan3A_55, %lt3A_58 : vector<16xi32>
    %broadcast_in_dim3A_60 = arith.constant 0.000000e+00 : f32
    %broadcast_in_dim3A_61 = vector.broadcast %broadcast_in_dim3A_60 : f32 to vector<16xf32>
    %select_n3A_62 = arith.select %lt3A_59, %get3A_46, %broadcast_in_dim3A_61 : vector<16xi1>, vector<16xf32>
    %swap3A = arith.constant 0 : index
    %swap3A_63 = tpu.vector_load %arg5[%swap3A] {strides = array<i32>} : memref<32xf32, #tpu.memory_space<vmem>>, vector<16xf32>,
    %swap3A_64 = vector.shape_cast %swap3A_63 : vector<16xf32> to vector<16xf32>
    %swap3A_65 = vector.shape_cast %select_n3A_62 : vector<16xf32> to vector<16xf32>
    tpu.vector_store %arg5[%swap3A], %swap3A_65 {strides = array<i32>} : memref<32xf32, #tpu.memory_space<vmem>>, vector<16xf32>,
    %add3A_66 = arith.constant 16 : i32
    %add3A_67 = arith.addi %mul3A_32, %add3A_66 : i32
    %get3A_68 = arith.index_cast %add3A_67 : i32 to index
    %get3A_69 = tpu.vector_load %arg4[%get3A_68] {strides = array<i32>} : memref<256xf32, #tpu.memory_space<vmem>>, vector<16xf32>,
    %get3A_70 = vector.shape_cast %get3A_69 : vector<16xf32> to vector<16xf32>
    %iota3A_71 = tpu.iota {dimensions = array<i32: 0>} : vector<16xi32>
    %add3A_72 = vector.broadcast %add3A_67 : i32 to vector<16xi32>
    %add3A_73 = arith.addi %iota3A_71, %add3A_72 : vector<16xi32>
    %broadcast_in_dim3A_74 = arith.constant 0 : i32
    %broadcast_in_dim3A_75 = vector.broadcast %broadcast_in_dim3A_74 : i32 to vector<16xi32>
    %broadcast_in_dim3A_76 = arith.constant 1 : i32
    %broadcast_in_dim3A_77 = vector.broadcast %broadcast_in_dim3A_76 : i32 to vector<16xi32>
    %scan3A_78 = arith.constant 0 : i32
    %scan3A_79 = arith.constant 16 : i32
    %scan3A_80 = arith.addi %scan3A_78, %scan3A_79 : i32
    %scan3A_81 = arith.constant 1 : i32
    %scan3A_82 = scf.for %scan3A_102 = %scan3A_78 to %scan3A_80 step %scan3A_81 iter_args(%scan3A_103 = %broadcast_in_dim3A_75) -> (vector<16xi32>)  : i32 {
      %mul3A_104 = arith.constant 16 : i32
      %mul3A_105 = arith.muli %scan3A_102, %mul3A_104 : i32
      %get3A_106 = arith.index_cast %mul3A_105 : i32 to index
      %get3A_107 = tpu.vector_load %arg4[%get3A_106] {strides = array<i32>} : memref<256xf32, #tpu.memory_space<vmem>>, vector<16xf32>,
      %get3A_108 = vector.shape_cast %get3A_107 : vector<16xf32> to vector<16xf32>
      %slice3A = vector.extract_strided_slice %get3A_108 {offsets = [0], sizes = [1], strides = [1]} : vector<16xf32> to vector<1xf32>
      %squeeze3A = vector.extract %slice3A[0] : f32 from vector<1xf32>
      %mul3A_109 = arith.constant 16 : i32
      %mul3A_110 = arith.muli %scan3A_102, %mul3A_109 : i32
      %add3A_111 = arith.constant 0 : i32
      %add3A_112 = arith.addi %mul3A_110, %add3A_111 : i32
      %gt3A = vector.broadcast %squeeze3A : f32 to vector<16xf32>
      %gt3A_113 = arith.cmpf ogt, %gt3A, %get3A_70 : vector<16xf32>
      %select_n3A_114 = arith.select %gt3A_113, %broadcast_in_dim3A_77, %broadcast_in_dim3A_75 : vector<16xi1>, vector<16xi32>
      %eq3A_115 = vector.broadcast %squeeze3A : f32 to vector<16xf32>
      %eq3A_116 = arith.cmpf oeq, %eq3A_115, %get3A_70 : vector<16xf32>
      %lt3A_117 = vector.broadcast %add3A_112 : i32 to vector<16xi32>
      %lt3A_118 = arith.cmpi slt, %lt3A_117, %add3A_73 : vector<16xi32>
      %and3A_119 = arith.andi %eq3A_116, %lt3A_118 : vector<16xi1>
      %select_n3A_120 = arith.select %and3A_119, %broadcast_in_dim3A_77, %broadcast_in_dim3A_75 : vector<16xi1>, vector<16xi32>
      %add3A_121 = arith.addi %scan3A_103, %select_n3A_114 : vector<16xi32>
      %add3A_122 = arith.addi %add3A_121, %select_n3A_120 : vector<16xi32>
      %slice3A_123 = vector.extract_strided_slice %get3A_108 {offsets = [1], sizes = [1], strides = [1]} : vector<16xf32> to vector<1xf32>
      %squeeze3A_124 = vector.extract %slice3A_123[0] : f32 from vector<1xf32>
      %mul3A_125 = arith.constant 16 : i32
      %mul3A_126 = arith.muli %scan3A_102, %mul3A_125 : i32
      %add3A_127 = arith.constant 1 : i32
      %add3A_128 = arith.addi %mul3A_126, %add3A_127 : i32
      %gt3A_129 = vector.broadcast %squeeze3A_124 : f32 to vector<16xf32>
      %gt3A_130 = arith.cmpf ogt, %gt3A_129, %get3A_70 : vector<16xf32>
      %select_n3A_131 = arith.select %gt3A_130, %broadcast_in_dim3A_77, %broadcast_in_dim3A_75 : vector<16xi1>, vector<16xi32>
      %eq3A_132 = vector.broadcast %squeeze3A_124 : f32 to vector<16xf32>
      %eq3A_133 = arith.cmpf oeq, %eq3A_132, %get3A_70 : vector<16xf32>
      %lt3A_134 = vector.broadcast %add3A_128 : i32 to vector<16xi32>
      %lt3A_135 = arith.cmpi slt, %lt3A_134, %add3A_73 : vector<16xi32>
      %and3A_136 = arith.andi %eq3A_133, %lt3A_135 : vector<16xi1>
      %select_n3A_137 = arith.select %and3A_136, %broadcast_in_dim3A_77, %broadcast_in_dim3A_75 : vector<16xi1>, vector<16xi32>
      %add3A_138 = arith.addi %add3A_122, %select_n3A_131 : vector<16xi32>
      %add3A_139 = arith.addi %add3A_138, %select_n3A_137 : vector<16xi32>
      %slice3A_140 = vector.extract_strided_slice %get3A_108 {offsets = [2], sizes = [1], strides = [1]} : vector<16xf32> to vector<1xf32>
      %squeeze3A_141 = vector.extract %slice3A_140[0] : f32 from vector<1xf32>
      %mul3A_142 = arith.constant 16 : i32
      %mul3A_143 = arith.muli %scan3A_102, %mul3A_142 : i32
      %add3A_144 = arith.constant 2 : i32
      %add3A_145 = arith.addi %mul3A_143, %add3A_144 : i32
      %gt3A_146 = vector.broadcast %squeeze3A_141 : f32 to vector<16xf32>
      %gt3A_147 = arith.cmpf ogt, %gt3A_146, %get3A_70 : vector<16xf32>
      %select_n3A_148 = arith.select %gt3A_147, %broadcast_in_dim3A_77, %broadcast_in_dim3A_75 : vector<16xi1>, vector<16xi32>
      %eq3A_149 = vector.broadcast %squeeze3A_141 : f32 to vector<16xf32>
      %eq3A_150 = arith.cmpf oeq, %eq3A_149, %get3A_70 : vector<16xf32>
      %lt3A_151 = vector.broadcast %add3A_145 : i32 to vector<16xi32>
      %lt3A_152 = arith.cmpi slt, %lt3A_151, %add3A_73 : vector<16xi32>
      %and3A_153 = arith.andi %eq3A_150, %lt3A_152 : vector<16xi1>
      %select_n3A_154 = arith.select %and3A_153, %broadcast_in_dim3A_77, %broadcast_in_dim3A_75 : vector<16xi1>, vector<16xi32>
      %add3A_155 = arith.addi %add3A_139, %select_n3A_148 : vector<16xi32>
      %add3A_156 = arith.addi %add3A_155, %select_n3A_154 : vector<16xi32>
      %slice3A_157 = vector.extract_strided_slice %get3A_108 {offsets = [3], sizes = [1], strides = [1]} : vector<16xf32> to vector<1xf32>
      %squeeze3A_158 = vector.extract %slice3A_157[0] : f32 from vector<1xf32>
      %mul3A_159 = arith.constant 16 : i32
      %mul3A_160 = arith.muli %scan3A_102, %mul3A_159 : i32
      %add3A_161 = arith.constant 3 : i32
      %add3A_162 = arith.addi %mul3A_160, %add3A_161 : i32
      %gt3A_163 = vector.broadcast %squeeze3A_158 : f32 to vector<16xf32>
      %gt3A_164 = arith.cmpf ogt, %gt3A_163, %get3A_70 : vector<16xf32>
      %select_n3A_165 = arith.select %gt3A_164, %broadcast_in_dim3A_77, %broadcast_in_dim3A_75 : vector<16xi1>, vector<16xi32>
      %eq3A_166 = vector.broadcast %squeeze3A_158 : f32 to vector<16xf32>
      %eq3A_167 = arith.cmpf oeq, %eq3A_166, %get3A_70 : vector<16xf32>
      %lt3A_168 = vector.broadcast %add3A_162 : i32 to vector<16xi32>
      %lt3A_169 = arith.cmpi slt, %lt3A_168, %add3A_73 : vector<16xi32>
      %and3A_170 = arith.andi %eq3A_167, %lt3A_169 : vector<16xi1>
      %select_n3A_171 = arith.select %and3A_170, %broadcast_in_dim3A_77, %broadcast_in_dim3A_75 : vector<16xi1>, vector<16xi32>
      %add3A_172 = arith.addi %add3A_156, %select_n3A_165 : vector<16xi32>
      %add3A_173 = arith.addi %add3A_172, %select_n3A_171 : vector<16xi32>
      %slice3A_174 = vector.extract_strided_slice %get3A_108 {offsets = [4], sizes = [1], strides = [1]} : vector<16xf32> to vector<1xf32>
      %squeeze3A_175 = vector.extract %slice3A_174[0] : f32 from vector<1xf32>
      %mul3A_176 = arith.constant 16 : i32
      %mul3A_177 = arith.muli %scan3A_102, %mul3A_176 : i32
      %add3A_178 = arith.constant 4 : i32
      %add3A_179 = arith.addi %mul3A_177, %add3A_178 : i32
      %gt3A_180 = vector.broadcast %squeeze3A_175 : f32 to vector<16xf32>
      %gt3A_181 = arith.cmpf ogt, %gt3A_180, %get3A_70 : vector<16xf32>
      %select_n3A_182 = arith.select %gt3A_181, %broadcast_in_dim3A_77, %broadcast_in_dim3A_75 : vector<16xi1>, vector<16xi32>
      %eq3A_183 = vector.broadcast %squeeze3A_175 : f32 to vector<16xf32>
      %eq3A_184 = arith.cmpf oeq, %eq3A_183, %get3A_70 : vector<16xf32>
      %lt3A_185 = vector.broadcast %add3A_179 : i32 to vector<16xi32>
      %lt3A_186 = arith.cmpi slt, %lt3A_185, %add3A_73 : vector<16xi32>
      %and3A_187 = arith.andi %eq3A_184, %lt3A_186 : vector<16xi1>
      %select_n3A_188 = arith.select %and3A_187, %broadcast_in_dim3A_77, %broadcast_in_dim3A_75 : vector<16xi1>, vector<16xi32>
      %add3A_189 = arith.addi %add3A_173, %select_n3A_182 : vector<16xi32>
      %add3A_190 = arith.addi %add3A_189, %select_n3A_188 : vector<16xi32>
      %slice3A_191 = vector.extract_strided_slice %get3A_108 {offsets = [5], sizes = [1], strides = [1]} : vector<16xf32> to vector<1xf32>
      %squeeze3A_192 = vector.extract %slice3A_191[0] : f32 from vector<1xf32>
      %mul3A_193 = arith.constant 16 : i32
      %mul3A_194 = arith.muli %scan3A_102, %mul3A_193 : i32
      %add3A_195 = arith.constant 5 : i32
      %add3A_196 = arith.addi %mul3A_194, %add3A_195 : i32
      %gt3A_197 = vector.broadcast %squeeze3A_192 : f32 to vector<16xf32>
      %gt3A_198 = arith.cmpf ogt, %gt3A_197, %get3A_70 : vector<16xf32>
      %select_n3A_199 = arith.select %gt3A_198, %broadcast_in_dim3A_77, %broadcast_in_dim3A_75 : vector<16xi1>, vector<16xi32>
      %eq3A_200 = vector.broadcast %squeeze3A_192 : f32 to vector<16xf32>
      %eq3A_201 = arith.cmpf oeq, %eq3A_200, %get3A_70 : vector<16xf32>
      %lt3A_202 = vector.broadcast %add3A_196 : i32 to vector<16xi32>
      %lt3A_203 = arith.cmpi slt, %lt3A_202, %add3A_73 : vector<16xi32>
      %and3A_204 = arith.andi %eq3A_201, %lt3A_203 : vector<16xi1>
      %select_n3A_205 = arith.select %and3A_204, %broadcast_in_dim3A_77, %broadcast_in_dim3A_75 : vector<16xi1>, vector<16xi32>
      %add3A_206 = arith.addi %add3A_190, %select_n3A_199 : vector<16xi32>
      %add3A_207 = arith.addi %add3A_206, %select_n3A_205 : vector<16xi32>
      %slice3A_208 = vector.extract_strided_slice %get3A_108 {offsets = [6], sizes = [1], strides = [1]} : vector<16xf32> to vector<1xf32>
      %squeeze3A_209 = vector.extract %slice3A_208[0] : f32 from vector<1xf32>
      %mul3A_210 = arith.constant 16 : i32
      %mul3A_211 = arith.muli %scan3A_102, %mul3A_210 : i32
      %add3A_212 = arith.constant 6 : i32
      %add3A_213 = arith.addi %mul3A_211, %add3A_212 : i32
      %gt3A_214 = vector.broadcast %squeeze3A_209 : f32 to vector<16xf32>
      %gt3A_215 = arith.cmpf ogt, %gt3A_214, %get3A_70 : vector<16xf32>
      %select_n3A_216 = arith.select %gt3A_215, %broadcast_in_dim3A_77, %broadcast_in_dim3A_75 : vector<16xi1>, vector<16xi32>
      %eq3A_217 = vector.broadcast %squeeze3A_209 : f32 to vector<16xf32>
      %eq3A_218 = arith.cmpf oeq, %eq3A_217, %get3A_70 : vector<16xf32>
      %lt3A_219 = vector.broadcast %add3A_213 : i32 to vector<16xi32>
      %lt3A_220 = arith.cmpi slt, %lt3A_219, %add3A_73 : vector<16xi32>
      %and3A_221 = arith.andi %eq3A_218, %lt3A_220 : vector<16xi1>
      %select_n3A_222 = arith.select %and3A_221, %broadcast_in_dim3A_77, %broadcast_in_dim3A_75 : vector<16xi1>, vector<16xi32>
      %add3A_223 = arith.addi %add3A_207, %select_n3A_216 : vector<16xi32>
      %add3A_224 = arith.addi %add3A_223, %select_n3A_222 : vector<16xi32>
      %slice3A_225 = vector.extract_strided_slice %get3A_108 {offsets = [7], sizes = [1], strides = [1]} : vector<16xf32> to vector<1xf32>
      %squeeze3A_226 = vector.extract %slice3A_225[0] : f32 from vector<1xf32>
      %mul3A_227 = arith.constant 16 : i32
      %mul3A_228 = arith.muli %scan3A_102, %mul3A_227 : i32
      %add3A_229 = arith.constant 7 : i32
      %add3A_230 = arith.addi %mul3A_228, %add3A_229 : i32
      %gt3A_231 = vector.broadcast %squeeze3A_226 : f32 to vector<16xf32>
      %gt3A_232 = arith.cmpf ogt, %gt3A_231, %get3A_70 : vector<16xf32>
      %select_n3A_233 = arith.select %gt3A_232, %broadcast_in_dim3A_77, %broadcast_in_dim3A_75 : vector<16xi1>, vector<16xi32>
      %eq3A_234 = vector.broadcast %squeeze3A_226 : f32 to vector<16xf32>
      %eq3A_235 = arith.cmpf oeq, %eq3A_234, %get3A_70 : vector<16xf32>
      %lt3A_236 = vector.broadcast %add3A_230 : i32 to vector<16xi32>
      %lt3A_237 = arith.cmpi slt, %lt3A_236, %add3A_73 : vector<16xi32>
      %and3A_238 = arith.andi %eq3A_235, %lt3A_237 : vector<16xi1>
      %select_n3A_239 = arith.select %and3A_238, %broadcast_in_dim3A_77, %broadcast_in_dim3A_75 : vector<16xi1>, vector<16xi32>
      %add3A_240 = arith.addi %add3A_224, %select_n3A_233 : vector<16xi32>
      %add3A_241 = arith.addi %add3A_240, %select_n3A_239 : vector<16xi32>
      %slice3A_242 = vector.extract_strided_slice %get3A_108 {offsets = [8], sizes = [1], strides = [1]} : vector<16xf32> to vector<1xf32>
      %squeeze3A_243 = vector.extract %slice3A_242[0] : f32 from vector<1xf32>
      %mul3A_244 = arith.constant 16 : i32
      %mul3A_245 = arith.muli %scan3A_102, %mul3A_244 : i32
      %add3A_246 = arith.constant 8 : i32
      %add3A_247 = arith.addi %mul3A_245, %add3A_246 : i32
      %gt3A_248 = vector.broadcast %squeeze3A_243 : f32 to vector<16xf32>
      %gt3A_249 = arith.cmpf ogt, %gt3A_248, %get3A_70 : vector<16xf32>
      %select_n3A_250 = arith.select %gt3A_249, %broadcast_in_dim3A_77, %broadcast_in_dim3A_75 : vector<16xi1>, vector<16xi32>
      %eq3A_251 = vector.broadcast %squeeze3A_243 : f32 to vector<16xf32>
      %eq3A_252 = arith.cmpf oeq, %eq3A_251, %get3A_70 : vector<16xf32>
      %lt3A_253 = vector.broadcast %add3A_247 : i32 to vector<16xi32>
      %lt3A_254 = arith.cmpi slt, %lt3A_253, %add3A_73 : vector<16xi32>
      %and3A_255 = arith.andi %eq3A_252, %lt3A_254 : vector<16xi1>
      %select_n3A_256 = arith.select %and3A_255, %broadcast_in_dim3A_77, %broadcast_in_dim3A_75 : vector<16xi1>, vector<16xi32>
      %add3A_257 = arith.addi %add3A_241, %select_n3A_250 : vector<16xi32>
      %add3A_258 = arith.addi %add3A_257, %select_n3A_256 : vector<16xi32>
      %slice3A_259 = vector.extract_strided_slice %get3A_108 {offsets = [9], sizes = [1], strides = [1]} : vector<16xf32> to vector<1xf32>
      %squeeze3A_260 = vector.extract %slice3A_259[0] : f32 from vector<1xf32>
      %mul3A_261 = arith.constant 16 : i32
      %mul3A_262 = arith.muli %scan3A_102, %mul3A_261 : i32
      %add3A_263 = arith.constant 9 : i32
      %add3A_264 = arith.addi %mul3A_262, %add3A_263 : i32
      %gt3A_265 = vector.broadcast %squeeze3A_260 : f32 to vector<16xf32>
      %gt3A_266 = arith.cmpf ogt, %gt3A_265, %get3A_70 : vector<16xf32>
      %select_n3A_267 = arith.select %gt3A_266, %broadcast_in_dim3A_77, %broadcast_in_dim3A_75 : vector<16xi1>, vector<16xi32>
      %eq3A_268 = vector.broadcast %squeeze3A_260 : f32 to vector<16xf32>
      %eq3A_269 = arith.cmpf oeq, %eq3A_268, %get3A_70 : vector<16xf32>
      %lt3A_270 = vector.broadcast %add3A_264 : i32 to vector<16xi32>
      %lt3A_271 = arith.cmpi slt, %lt3A_270, %add3A_73 : vector<16xi32>
      %and3A_272 = arith.andi %eq3A_269, %lt3A_271 : vector<16xi1>
      %select_n3A_273 = arith.select %and3A_272, %broadcast_in_dim3A_77, %broadcast_in_dim3A_75 : vector<16xi1>, vector<16xi32>
      %add3A_274 = arith.addi %add3A_258, %select_n3A_267 : vector<16xi32>
      %add3A_275 = arith.addi %add3A_274, %select_n3A_273 : vector<16xi32>
      %slice3A_276 = vector.extract_strided_slice %get3A_108 {offsets = [10], sizes = [1], strides = [1]} : vector<16xf32> to vector<1xf32>
      %squeeze3A_277 = vector.extract %slice3A_276[0] : f32 from vector<1xf32>
      %mul3A_278 = arith.constant 16 : i32
      %mul3A_279 = arith.muli %scan3A_102, %mul3A_278 : i32
      %add3A_280 = arith.constant 10 : i32
      %add3A_281 = arith.addi %mul3A_279, %add3A_280 : i32
      %gt3A_282 = vector.broadcast %squeeze3A_277 : f32 to vector<16xf32>
      %gt3A_283 = arith.cmpf ogt, %gt3A_282, %get3A_70 : vector<16xf32>
      %select_n3A_284 = arith.select %gt3A_283, %broadcast_in_dim3A_77, %broadcast_in_dim3A_75 : vector<16xi1>, vector<16xi32>
      %eq3A_285 = vector.broadcast %squeeze3A_277 : f32 to vector<16xf32>
      %eq3A_286 = arith.cmpf oeq, %eq3A_285, %get3A_70 : vector<16xf32>
      %lt3A_287 = vector.broadcast %add3A_281 : i32 to vector<16xi32>
      %lt3A_288 = arith.cmpi slt, %lt3A_287, %add3A_73 : vector<16xi32>
      %and3A_289 = arith.andi %eq3A_286, %lt3A_288 : vector<16xi1>
      %select_n3A_290 = arith.select %and3A_289, %broadcast_in_dim3A_77, %broadcast_in_dim3A_75 : vector<16xi1>, vector<16xi32>
      %add3A_291 = arith.addi %add3A_275, %select_n3A_284 : vector<16xi32>
      %add3A_292 = arith.addi %add3A_291, %select_n3A_290 : vector<16xi32>
      %slice3A_293 = vector.extract_strided_slice %get3A_108 {offsets = [11], sizes = [1], strides = [1]} : vector<16xf32> to vector<1xf32>
      %squeeze3A_294 = vector.extract %slice3A_293[0] : f32 from vector<1xf32>
      %mul3A_295 = arith.constant 16 : i32
      %mul3A_296 = arith.muli %scan3A_102, %mul3A_295 : i32
      %add3A_297 = arith.constant 11 : i32
      %add3A_298 = arith.addi %mul3A_296, %add3A_297 : i32
      %gt3A_299 = vector.broadcast %squeeze3A_294 : f32 to vector<16xf32>
      %gt3A_300 = arith.cmpf ogt, %gt3A_299, %get3A_70 : vector<16xf32>
      %select_n3A_301 = arith.select %gt3A_300, %broadcast_in_dim3A_77, %broadcast_in_dim3A_75 : vector<16xi1>, vector<16xi32>
      %eq3A_302 = vector.broadcast %squeeze3A_294 : f32 to vector<16xf32>
      %eq3A_303 = arith.cmpf oeq, %eq3A_302, %get3A_70 : vector<16xf32>
      %lt3A_304 = vector.broadcast %add3A_298 : i32 to vector<16xi32>
      %lt3A_305 = arith.cmpi slt, %lt3A_304, %add3A_73 : vector<16xi32>
      %and3A_306 = arith.andi %eq3A_303, %lt3A_305 : vector<16xi1>
      %select_n3A_307 = arith.select %and3A_306, %broadcast_in_dim3A_77, %broadcast_in_dim3A_75 : vector<16xi1>, vector<16xi32>
      %add3A_308 = arith.addi %add3A_292, %select_n3A_301 : vector<16xi32>
      %add3A_309 = arith.addi %add3A_308, %select_n3A_307 : vector<16xi32>
      %slice3A_310 = vector.extract_strided_slice %get3A_108 {offsets = [12], sizes = [1], strides = [1]} : vector<16xf32> to vector<1xf32>
      %squeeze3A_311 = vector.extract %slice3A_310[0] : f32 from vector<1xf32>
      %mul3A_312 = arith.constant 16 : i32
      %mul3A_313 = arith.muli %scan3A_102, %mul3A_312 : i32
      %add3A_314 = arith.constant 12 : i32
      %add3A_315 = arith.addi %mul3A_313, %add3A_314 : i32
      %gt3A_316 = vector.broadcast %squeeze3A_311 : f32 to vector<16xf32>
      %gt3A_317 = arith.cmpf ogt, %gt3A_316, %get3A_70 : vector<16xf32>
      %select_n3A_318 = arith.select %gt3A_317, %broadcast_in_dim3A_77, %broadcast_in_dim3A_75 : vector<16xi1>, vector<16xi32>
      %eq3A_319 = vector.broadcast %squeeze3A_311 : f32 to vector<16xf32>
      %eq3A_320 = arith.cmpf oeq, %eq3A_319, %get3A_70 : vector<16xf32>
      %lt3A_321 = vector.broadcast %add3A_315 : i32 to vector<16xi32>
      %lt3A_322 = arith.cmpi slt, %lt3A_321, %add3A_73 : vector<16xi32>
      %and3A_323 = arith.andi %eq3A_320, %lt3A_322 : vector<16xi1>
      %select_n3A_324 = arith.select %and3A_323, %broadcast_in_dim3A_77, %broadcast_in_dim3A_75 : vector<16xi1>, vector<16xi32>
      %add3A_325 = arith.addi %add3A_309, %select_n3A_318 : vector<16xi32>
      %add3A_326 = arith.addi %add3A_325, %select_n3A_324 : vector<16xi32>
      %slice3A_327 = vector.extract_strided_slice %get3A_108 {offsets = [13], sizes = [1], strides = [1]} : vector<16xf32> to vector<1xf32>
      %squeeze3A_328 = vector.extract %slice3A_327[0] : f32 from vector<1xf32>
      %mul3A_329 = arith.constant 16 : i32
      %mul3A_330 = arith.muli %scan3A_102, %mul3A_329 : i32
      %add3A_331 = arith.constant 13 : i32
      %add3A_332 = arith.addi %mul3A_330, %add3A_331 : i32
      %gt3A_333 = vector.broadcast %squeeze3A_328 : f32 to vector<16xf32>
      %gt3A_334 = arith.cmpf ogt, %gt3A_333, %get3A_70 : vector<16xf32>
      %select_n3A_335 = arith.select %gt3A_334, %broadcast_in_dim3A_77, %broadcast_in_dim3A_75 : vector<16xi1>, vector<16xi32>
      %eq3A_336 = vector.broadcast %squeeze3A_328 : f32 to vector<16xf32>
      %eq3A_337 = arith.cmpf oeq, %eq3A_336, %get3A_70 : vector<16xf32>
      %lt3A_338 = vector.broadcast %add3A_332 : i32 to vector<16xi32>
      %lt3A_339 = arith.cmpi slt, %lt3A_338, %add3A_73 : vector<16xi32>
      %and3A_340 = arith.andi %eq3A_337, %lt3A_339 : vector<16xi1>
      %select_n3A_341 = arith.select %and3A_340, %broadcast_in_dim3A_77, %broadcast_in_dim3A_75 : vector<16xi1>, vector<16xi32>
      %add3A_342 = arith.addi %add3A_326, %select_n3A_335 : vector<16xi32>
      %add3A_343 = arith.addi %add3A_342, %select_n3A_341 : vector<16xi32>
      %slice3A_344 = vector.extract_strided_slice %get3A_108 {offsets = [14], sizes = [1], strides = [1]} : vector<16xf32> to vector<1xf32>
      %squeeze3A_345 = vector.extract %slice3A_344[0] : f32 from vector<1xf32>
      %mul3A_346 = arith.constant 16 : i32
      %mul3A_347 = arith.muli %scan3A_102, %mul3A_346 : i32
      %add3A_348 = arith.constant 14 : i32
      %add3A_349 = arith.addi %mul3A_347, %add3A_348 : i32
      %gt3A_350 = vector.broadcast %squeeze3A_345 : f32 to vector<16xf32>
      %gt3A_351 = arith.cmpf ogt, %gt3A_350, %get3A_70 : vector<16xf32>
      %select_n3A_352 = arith.select %gt3A_351, %broadcast_in_dim3A_77, %broadcast_in_dim3A_75 : vector<16xi1>, vector<16xi32>
      %eq3A_353 = vector.broadcast %squeeze3A_345 : f32 to vector<16xf32>
      %eq3A_354 = arith.cmpf oeq, %eq3A_353, %get3A_70 : vector<16xf32>
      %lt3A_355 = vector.broadcast %add3A_349 : i32 to vector<16xi32>
      %lt3A_356 = arith.cmpi slt, %lt3A_355, %add3A_73 : vector<16xi32>
      %and3A_357 = arith.andi %eq3A_354, %lt3A_356 : vector<16xi1>
      %select_n3A_358 = arith.select %and3A_357, %broadcast_in_dim3A_77, %broadcast_in_dim3A_75 : vector<16xi1>, vector<16xi32>
      %add3A_359 = arith.addi %add3A_343, %select_n3A_352 : vector<16xi32>
      %add3A_360 = arith.addi %add3A_359, %select_n3A_358 : vector<16xi32>
      %slice3A_361 = vector.extract_strided_slice %get3A_108 {offsets = [15], sizes = [1], strides = [1]} : vector<16xf32> to vector<1xf32>
      %squeeze3A_362 = vector.extract %slice3A_361[0] : f32 from vector<1xf32>
      %mul3A_363 = arith.constant 16 : i32
      %mul3A_364 = arith.muli %scan3A_102, %mul3A_363 : i32
      %add3A_365 = arith.constant 15 : i32
      %add3A_366 = arith.addi %mul3A_364, %add3A_365 : i32
      %gt3A_367 = vector.broadcast %squeeze3A_362 : f32 to vector<16xf32>
      %gt3A_368 = arith.cmpf ogt, %gt3A_367, %get3A_70 : vector<16xf32>
      %select_n3A_369 = arith.select %gt3A_368, %broadcast_in_dim3A_77, %broadcast_in_dim3A_75 : vector<16xi1>, vector<16xi32>
      %eq3A_370 = vector.broadcast %squeeze3A_362 : f32 to vector<16xf32>
      %eq3A_371 = arith.cmpf oeq, %eq3A_370, %get3A_70 : vector<16xf32>
      %lt3A_372 = vector.broadcast %add3A_366 : i32 to vector<16xi32>
      %lt3A_373 = arith.cmpi slt, %lt3A_372, %add3A_73 : vector<16xi32>
      %and3A_374 = arith.andi %eq3A_371, %lt3A_373 : vector<16xi1>
      %select_n3A_375 = arith.select %and3A_374, %broadcast_in_dim3A_77, %broadcast_in_dim3A_75 : vector<16xi1>, vector<16xi32>
      %add3A_376 = arith.addi %add3A_360, %select_n3A_369 : vector<16xi32>
      %add3A_377 = arith.addi %add3A_376, %select_n3A_375 : vector<16xi32>
      scf.yield %add3A_377 : vector<16xi32>
    }
    %scan3A_83 = arith.constant 16 : i32
    %lt3A_84 = arith.constant 32 : i32
    %lt3A_85 = vector.broadcast %lt3A_84 : i32 to vector<16xi32>
    %lt3A_86 = arith.cmpi slt, %scan3A_82, %lt3A_85 : vector<16xi32>
    %broadcast_in_dim3A_87 = arith.constant 0.000000e+00 : f32
    %broadcast_in_dim3A_88 = vector.broadcast %broadcast_in_dim3A_87 : f32 to vector<16xf32>
    %select_n3A_89 = arith.select %lt3A_86, %get3A_70, %broadcast_in_dim3A_88 : vector<16xi1>, vector<16xf32>
    %swap3A_90 = arith.constant 16 : index
    %swap3A_91 = tpu.vector_load %arg5[%swap3A_90] {strides = array<i32>} : memref<32xf32, #tpu.memory_space<vmem>>, vector<16xf32>,
    %swap3A_92 = vector.shape_cast %swap3A_91 : vector<16xf32> to vector<16xf32>
    %swap3A_93 = vector.shape_cast %select_n3A_89 : vector<16xf32> to vector<16xf32>
    tpu.vector_store %arg5[%swap3A_90], %swap3A_93 {strides = array<i32>} : memref<32xf32, #tpu.memory_space<vmem>>, vector<16xf32>,
    %dma_start3A_94 = tpu.memref_slice %arg3[%select_n3A, %mul3A_32] : memref<4x256xf32, #tpu.memory_space<hbm>> -> memref<1x32xf32, #tpu.memory_space<hbm>>
    %dma_start3A_95 = tpu.memref_squeeze %dma_start3A_94 : memref<1x32xf32, #tpu.memory_space<hbm>> -> memref<32xf32, #tpu.memory_space<hbm>>
    %dma_start3A_96 = tpu.memref_slice %arg3[%select_n3A, %mul3A_32] : memref<4x256xf32, #tpu.memory_space<hbm>> -> memref<1x32xf32, #tpu.memory_space<hbm>>
    %dma_start3A_97 = tpu.memref_squeeze %dma_start3A_96 : memref<1x32xf32, #tpu.memory_space<hbm>> -> memref<32xf32, #tpu.memory_space<hbm>>
    tpu.enqueue_dma source(%arg5 : memref<32xf32, #tpu.memory_space<vmem>>) target(%dma_start3A_97 : memref<32xf32, #tpu.memory_space<hbm>>) target_semaphore(%arg6 : memref<!tpu.dma_semaphore, #tpu.memory_space<semaphore_mem>>)
    %dma_wait3A_98 = tpu.memref_slice %arg3[%select_n3A, %mul3A_32] : memref<4x256xf32, #tpu.memory_space<hbm>> -> memref<1x32xf32, #tpu.memory_space<hbm>>
    %dma_wait3A_99 = tpu.memref_squeeze %dma_wait3A_98 : memref<1x32xf32, #tpu.memory_space<hbm>> -> memref<32xf32, #tpu.memory_space<hbm>>
    %dma_wait3A_100 = tpu.memref_slice %arg3[%select_n3A, %mul3A_32] : memref<4x256xf32, #tpu.memory_space<hbm>> -> memref<1x32xf32, #tpu.memory_space<hbm>>
    %dma_wait3A_101 = tpu.memref_squeeze %dma_wait3A_100 : memref<1x32xf32, #tpu.memory_space<hbm>> -> memref<32xf32, #tpu.memory_space<hbm>>
    tpu.wait_dma2 semaphore(%arg6 : memref<!tpu.dma_semaphore, #tpu.memory_space<semaphore_mem>>) src(%arg5 : memref<32xf32, #tpu.memory_space<vmem>>) dst(%dma_wait3A_101 : memref<32xf32, #tpu.memory_space<hbm>>)
    return
  }
}

module attributes {stable_mosaic.version = 14 : i64} {
  func.func @_enc_body(%arg0: i32, %arg1: i32, %arg2: memref<1x2048x768xf32, #tpu.memory_space<vmem>>, %arg3: memref<768x256xf32, #tpu.memory_space<vmem>>, %arg4: memref<1x256xf32, #tpu.memory_space<vmem>>, %arg5: memref<256x256xf32, #tpu.memory_space<vmem>>, %arg6: memref<1x256xf32, #tpu.memory_space<vmem>>, %arg7: memref<1x2048x256xf32, #tpu.memory_space<vmem>>, %arg8: memref<4x256xf32, #tpu.memory_space<vmem>>, %arg9: memref<4x256xf32, #tpu.memory_space<vmem>>) attributes {dimension_semantics = [#tpu.dimension_semantics<arbitrary>, #tpu.dimension_semantics<arbitrary>], iteration_bounds = array<i64: 4, 4>, scalar_prefetch = 0 : i64, scratch_operands = 1 : i64, tpu.core_type = #tpu.core_type<tc>, window_params = [{transform_indices = @transform_0, window_bounds = array<i64: 1, 2048, 768>}, {pipeline_mode = #tpu.pipeline_mode<synchronous>, transform_indices = @transform_1, window_bounds = array<i64: 768, 256>}, {pipeline_mode = #tpu.pipeline_mode<synchronous>, transform_indices = @transform_2, window_bounds = array<i64: 1, 256>}, {pipeline_mode = #tpu.pipeline_mode<synchronous>, transform_indices = @transform_3, window_bounds = array<i64: 256, 256>}, {pipeline_mode = #tpu.pipeline_mode<synchronous>, transform_indices = @transform_4, window_bounds = array<i64: 1, 256>}, {transform_indices = @transform_5, window_bounds = array<i64: 1, 2048, 256>}, {pipeline_mode = #tpu.pipeline_mode<synchronous>, transform_indices = @transform_6, window_bounds = array<i64: 4, 256>}]} {
    %get3A = arith.constant 0 : index
    %get3A_0 = arith.constant 0 : index
    %get3A_1 = arith.constant 0 : index
    %get3A_2 = vector.load %arg2[%get3A, %get3A_0, %get3A_1] : memref<1x2048x768xf32, #tpu.memory_space<vmem>>, vector<1x2048x768xf32>
    %get3A_3 = vector.shape_cast %get3A_2 : vector<1x2048x768xf32> to vector<2048x768xf32>
    %get3A_4 = arith.constant 0 : index
    %get3A_5 = arith.constant 0 : index
    %get3A_6 = vector.load %arg3[%get3A_4, %get3A_5] : memref<768x256xf32, #tpu.memory_space<vmem>>, vector<768x256xf32>
    %dot_general3A = arith.constant dense<0.000000e+00> : vector<2048x256xf32>
    %dot_general3A_7 = tpu.matmul %get3A_3, %get3A_6, %dot_general3A {dimension_numbers = #tpu.dot_dimension_numbers<[1], [0], [0], [1], [0, 0, 1, 1], [], []>, transpose_lhs_hint = false} : vector<2048x768xf32>, vector<768x256xf32>, vector<2048x256xf32> -> vector<2048x256xf32>
    %get3A_8 = arith.constant 0 : index
    %get3A_9 = arith.constant 0 : index
    %get3A_10 = vector.load %arg4[%get3A_8, %get3A_9] : memref<1x256xf32, #tpu.memory_space<vmem>>, vector<1x256xf32>
    %add3A = vector.broadcast %get3A_10 : vector<1x256xf32> to vector<2048x256xf32>
    %add3A_11 = arith.addf %dot_general3A_7, %add3A : vector<2048x256xf32>
    %max3A = arith.constant 0.000000e+00 : f32
    %max3A_12 = vector.broadcast %max3A : f32 to vector<2048x256xf32>
    %max3A_13 = arith.maximumf %add3A_11, %max3A_12 : vector<2048x256xf32>
    %swap3A = arith.constant 0 : index
    %swap3A_14 = arith.constant 0 : index
    %swap3A_15 = arith.constant 0 : index
    %swap3A_16 = vector.load %arg7[%swap3A, %swap3A_14, %swap3A_15] : memref<1x2048x256xf32, #tpu.memory_space<vmem>>, vector<1x2048x256xf32>
    %swap3A_17 = vector.shape_cast %swap3A_16 : vector<1x2048x256xf32> to vector<2048x256xf32>
    %swap3A_18 = vector.shape_cast %max3A_13 : vector<2048x256xf32> to vector<1x2048x256xf32>
    tpu.vector_store %arg7[%swap3A, %swap3A_14, %swap3A_15], %swap3A_18 {strides = array<i32>} : memref<1x2048x256xf32, #tpu.memory_space<vmem>>, vector<1x2048x256xf32>,
    %reduce_sum3A = arith.constant dense<0.000000e+00> : vector<256xf32>
    %reduce_sum3A_19 = vector.multi_reduction <add>, %max3A_13, %reduce_sum3A [0] : vector<2048x256xf32> to vector<256xf32>
    %broadcast_in_dim3A = vector.shape_cast %reduce_sum3A_19 : vector<256xf32> to vector<1x256xf32>
    %eq3A = arith.constant 0 : i32
    %eq3A_20 = arith.cmpi eq, %arg1, %eq3A : i32
    %convert_element_type3A = arith.extui %eq3A_20 : i1 to i32
    %cond3A = arith.constant 0 : i32
    %cond3A_21 = arith.cmpi ne, %convert_element_type3A, %cond3A : i32
    scf.if %cond3A_21 {
      %swap3A_33 = arith.index_cast %arg0 : i32 to index
      %swap3A_34 = arith.constant 0 : index
      %swap3A_35 = vector.load %arg9[%swap3A_33, %swap3A_34] : memref<4x256xf32, #tpu.memory_space<vmem>>, vector<1x256xf32>
      tpu.vector_store %arg9[%swap3A_33, %swap3A_34], %broadcast_in_dim3A {strides = array<i32>} : memref<4x256xf32, #tpu.memory_space<vmem>>, vector<1x256xf32>,
    } else {
    }
    %ne3A = arith.constant 0 : i32
    %ne3A_22 = arith.cmpi ne, %arg1, %ne3A : i32
    %convert_element_type3A_23 = arith.extui %ne3A_22 : i1 to i32
    %cond3A_24 = arith.constant 0 : i32
    %cond3A_25 = arith.cmpi ne, %convert_element_type3A_23, %cond3A_24 : i32
    scf.if %cond3A_25 {
      %get3A_33 = arith.index_cast %arg0 : i32 to index
      %get3A_34 = arith.constant 0 : index
      %get3A_35 = vector.load %arg9[%get3A_33, %get3A_34] : memref<4x256xf32, #tpu.memory_space<vmem>>, vector<1x256xf32>
      %add3A_36 = arith.addf %get3A_35, %broadcast_in_dim3A : vector<1x256xf32>
      %swap3A_37 = arith.index_cast %arg0 : i32 to index
      %swap3A_38 = arith.constant 0 : index
      %swap3A_39 = vector.load %arg9[%swap3A_37, %swap3A_38] : memref<4x256xf32, #tpu.memory_space<vmem>>, vector<1x256xf32>
      tpu.vector_store %arg9[%swap3A_37, %swap3A_38], %add3A_36 {strides = array<i32>} : memref<4x256xf32, #tpu.memory_space<vmem>>, vector<1x256xf32>,
    } else {
    }
    %eq3A_26 = arith.constant 3 : i32
    %eq3A_27 = arith.cmpi eq, %arg0, %eq3A_26 : i32
    %eq3A_28 = arith.constant 3 : i32
    %eq3A_29 = arith.cmpi eq, %arg1, %eq3A_28 : i32
    %and3A = arith.andi %eq3A_27, %eq3A_29 : i1
    %convert_element_type3A_30 = arith.extui %and3A : i1 to i32
    %cond3A_31 = arith.constant 0 : i32
    %cond3A_32 = arith.cmpi ne, %convert_element_type3A_30, %cond3A_31 : i32
    scf.if %cond3A_32 {
      %get3A_33 = arith.constant 0 : index
      %get3A_34 = arith.constant 0 : index
      %get3A_35 = vector.load %arg9[%get3A_33, %get3A_34] : memref<4x256xf32, #tpu.memory_space<vmem>>, vector<4x256xf32>
      %mul3A = arith.constant 1.22070313E-4 : f32
      %mul3A_36 = vector.broadcast %mul3A : f32 to vector<4x256xf32>
      %mul3A_37 = arith.mulf %get3A_35, %mul3A_36 : vector<4x256xf32>
      %get3A_38 = arith.constant 0 : index
      %get3A_39 = arith.constant 0 : index
      %get3A_40 = vector.load %arg5[%get3A_38, %get3A_39] : memref<256x256xf32, #tpu.memory_space<vmem>>, vector<256x256xf32>
      %dot_general3A_41 = arith.constant dense<0.000000e+00> : vector<4x256xf32>
      %dot_general3A_42 = tpu.matmul %mul3A_37, %get3A_40, %dot_general3A_41 {dimension_numbers = #tpu.dot_dimension_numbers<[1], [0], [0], [1], [0, 0, 1, 1], [], []>, transpose_lhs_hint = false} : vector<4x256xf32>, vector<256x256xf32>, vector<4x256xf32> -> vector<4x256xf32>
      %get3A_43 = arith.constant 0 : index
      %get3A_44 = arith.constant 0 : index
      %get3A_45 = vector.load %arg6[%get3A_43, %get3A_44] : memref<1x256xf32, #tpu.memory_space<vmem>>, vector<1x256xf32>
      %add3A_46 = vector.broadcast %get3A_45 : vector<1x256xf32> to vector<4x256xf32>
      %add3A_47 = arith.addf %dot_general3A_42, %add3A_46 : vector<4x256xf32>
      %logistic3A = arith.negf %add3A_47 : vector<4x256xf32>
      %logistic3A_48 = math.exp %logistic3A : vector<4x256xf32>
      %logistic3A_49 = arith.constant 1.000000e+00 : f32
      %logistic3A_50 = vector.broadcast %logistic3A_49 : f32 to vector<4x256xf32>
      %logistic3A_51 = arith.addf %logistic3A_50, %logistic3A_48 : vector<4x256xf32>
      %logistic3A_52 = arith.divf %logistic3A_50, %logistic3A_51 : vector<4x256xf32>
      %swap3A_53 = arith.constant 0 : index
      %swap3A_54 = arith.constant 0 : index
      %swap3A_55 = vector.load %arg8[%swap3A_53, %swap3A_54] : memref<4x256xf32, #tpu.memory_space<vmem>>, vector<4x256xf32>
      tpu.vector_store %arg8[%swap3A_53, %swap3A_54], %logistic3A_52 {strides = array<i32>} : memref<4x256xf32, #tpu.memory_space<vmem>>, vector<4x256xf32>,
    } else {
    }
    return
  }
  func.func @transform_0(%arg0: i32, %arg1: i32) -> (i32, i32, i32) {
    %c0_i32 = arith.constant 0 : i32
    %c0_i32_0 = arith.constant 0 : i32
    return %arg0, %arg1, %c0_i32 : i32, i32, i32
  }
  func.func @transform_1(%arg0: i32, %arg1: i32) -> (i32, i32) {
    %c0_i32 = arith.constant 0 : i32
    %c0_i32_0 = arith.constant 0 : i32
    %c0_i32_1 = arith.constant 0 : i32
    return %c0_i32, %c0_i32_0 : i32, i32
  }
  func.func @transform_2(%arg0: i32, %arg1: i32) -> (i32, i32) {
    %c0_i32 = arith.constant 0 : i32
    %c0_i32_0 = arith.constant 0 : i32
    %c0_i32_1 = arith.constant 0 : i32
    return %c0_i32, %c0_i32_0 : i32, i32
  }
  func.func @transform_3(%arg0: i32, %arg1: i32) -> (i32, i32) {
    %c0_i32 = arith.constant 0 : i32
    %c0_i32_0 = arith.constant 0 : i32
    %c0_i32_1 = arith.constant 0 : i32
    return %c0_i32, %c0_i32_0 : i32, i32
  }
  func.func @transform_4(%arg0: i32, %arg1: i32) -> (i32, i32) {
    %c0_i32 = arith.constant 0 : i32
    %c0_i32_0 = arith.constant 0 : i32
    %c0_i32_1 = arith.constant 0 : i32
    return %c0_i32, %c0_i32_0 : i32, i32
  }
  func.func @transform_5(%arg0: i32, %arg1: i32) -> (i32, i32, i32) {
    %c0_i32 = arith.constant 0 : i32
    %c0_i32_0 = arith.constant 0 : i32
    return %arg0, %arg1, %c0_i32 : i32, i32, i32
  }
  func.func @transform_6(%arg0: i32, %arg1: i32) -> (i32, i32) {
    %c0_i32 = arith.constant 0 : i32
    %c0_i32_0 = arith.constant 0 : i32
    %c0_i32_1 = arith.constant 0 : i32
    return %c0_i32, %c0_i32_0 : i32, i32
  }
}

module attributes {stable_mosaic.version = 14 : i64} {
  func.func @_dec_body(%arg0: i32, %arg1: i32, %arg2: memref<1x2048x256xf32, #tpu.memory_space<vmem>>, %arg3: memref<4x256xf32, #tpu.memory_space<vmem>>, %arg4: memref<256x768xf32, #tpu.memory_space<vmem>>, %arg5: memref<1x768xf32, #tpu.memory_space<vmem>>, %arg6: memref<1x2048x768xf32, #tpu.memory_space<vmem>>) attributes {dimension_semantics = [#tpu.dimension_semantics<arbitrary>, #tpu.dimension_semantics<arbitrary>], iteration_bounds = array<i64: 4, 4>, scalar_prefetch = 0 : i64, scratch_operands = 0 : i64, tpu.core_type = #tpu.core_type<tc>, window_params = [{transform_indices = @transform_0, window_bounds = array<i64: 1, 2048, 256>}, {pipeline_mode = #tpu.pipeline_mode<synchronous>, transform_indices = @transform_1, window_bounds = array<i64: 4, 256>}, {pipeline_mode = #tpu.pipeline_mode<synchronous>, transform_indices = @transform_2, window_bounds = array<i64: 256, 768>}, {pipeline_mode = #tpu.pipeline_mode<synchronous>, transform_indices = @transform_3, window_bounds = array<i64: 1, 768>}, {transform_indices = @transform_4, window_bounds = array<i64: 1, 2048, 768>}]} {
    %get3A = arith.constant 0 : index
    %get3A_0 = arith.constant 0 : index
    %get3A_1 = arith.constant 0 : index
    %get3A_2 = vector.load %arg2[%get3A, %get3A_0, %get3A_1] : memref<1x2048x256xf32, #tpu.memory_space<vmem>>, vector<1x2048x256xf32>
    %get3A_3 = vector.shape_cast %get3A_2 : vector<1x2048x256xf32> to vector<2048x256xf32>
    %get3A_4 = arith.index_cast %arg0 : i32 to index
    %get3A_5 = arith.constant 0 : index
    %get3A_6 = vector.load %arg3[%get3A_4, %get3A_5] : memref<4x256xf32, #tpu.memory_space<vmem>>, vector<1x256xf32>
    %mul3A = vector.broadcast %get3A_6 : vector<1x256xf32> to vector<2048x256xf32>
    %mul3A_7 = arith.mulf %get3A_3, %mul3A : vector<2048x256xf32>
    %get3A_8 = arith.constant 0 : index
    %get3A_9 = arith.constant 0 : index
    %get3A_10 = vector.load %arg4[%get3A_8, %get3A_9] : memref<256x768xf32, #tpu.memory_space<vmem>>, vector<256x768xf32>
    %dot_general3A = arith.constant dense<0.000000e+00> : vector<2048x768xf32>
    %dot_general3A_11 = tpu.matmul %mul3A_7, %get3A_10, %dot_general3A {dimension_numbers = #tpu.dot_dimension_numbers<[1], [0], [0], [1], [0, 0, 1, 1], [], []>, transpose_lhs_hint = false} : vector<2048x256xf32>, vector<256x768xf32>, vector<2048x768xf32> -> vector<2048x768xf32>
    %get3A_12 = arith.constant 0 : index
    %get3A_13 = arith.constant 0 : index
    %get3A_14 = vector.load %arg5[%get3A_12, %get3A_13] : memref<1x768xf32, #tpu.memory_space<vmem>>, vector<1x768xf32>
    %add3A = vector.broadcast %get3A_14 : vector<1x768xf32> to vector<2048x768xf32>
    %add3A_15 = arith.addf %dot_general3A_11, %add3A : vector<2048x768xf32>
    %swap3A = arith.constant 0 : index
    %swap3A_16 = arith.constant 0 : index
    %swap3A_17 = arith.constant 0 : index
    %swap3A_18 = vector.load %arg6[%swap3A, %swap3A_16, %swap3A_17] : memref<1x2048x768xf32, #tpu.memory_space<vmem>>, vector<1x2048x768xf32>
    %swap3A_19 = vector.shape_cast %swap3A_18 : vector<1x2048x768xf32> to vector<2048x768xf32>
    %swap3A_20 = vector.shape_cast %add3A_15 : vector<2048x768xf32> to vector<1x2048x768xf32>
    tpu.vector_store %arg6[%swap3A, %swap3A_16, %swap3A_17], %swap3A_20 {strides = array<i32>} : memref<1x2048x768xf32, #tpu.memory_space<vmem>>, vector<1x2048x768xf32>,
    return
  }
  func.func @transform_0(%arg0: i32, %arg1: i32) -> (i32, i32, i32) {
    %c0_i32 = arith.constant 0 : i32
    %c0_i32_0 = arith.constant 0 : i32
    return %arg0, %arg1, %c0_i32 : i32, i32, i32
  }
  func.func @transform_1(%arg0: i32, %arg1: i32) -> (i32, i32) {
    %c0_i32 = arith.constant 0 : i32
    %c0_i32_0 = arith.constant 0 : i32
    %c0_i32_1 = arith.constant 0 : i32
    return %c0_i32, %c0_i32_0 : i32, i32
  }
  func.func @transform_2(%arg0: i32, %arg1: i32) -> (i32, i32) {
    %c0_i32 = arith.constant 0 : i32
    %c0_i32_0 = arith.constant 0 : i32
    %c0_i32_1 = arith.constant 0 : i32
    return %c0_i32, %c0_i32_0 : i32, i32
  }
  func.func @transform_3(%arg0: i32, %arg1: i32) -> (i32, i32) {
    %c0_i32 = arith.constant 0 : i32
    %c0_i32_0 = arith.constant 0 : i32
    %c0_i32_1 = arith.constant 0 : i32
    return %c0_i32, %c0_i32_0 : i32, i32
  }
  func.func @transform_4(%arg0: i32, %arg1: i32) -> (i32, i32, i32) {
    %c0_i32 = arith.constant 0 : i32
    %c0_i32_0 = arith.constant 0 : i32
    return %arg0, %arg1, %c0_i32 : i32, i32, i32
  }
}

</mosaic_0001>

<sc_bundles>
// kernel: kernel.5.cloned.1.call-start
scs
__scs_entry_jumppad:
0x0: {  	(pc) =	sbr.rel $0x88, $3  }
0x1: {  	(tag) =	ssettag $0x0;
	lr =	simm.s32 $0x1  }
0x2: {  	[smem:$0x3F9A] =	sst lr;
	_ =	strace $0xD0000000  }
0x3: {  	_ = 	snop  }
0x4: {  	_ = 	snop  }
0x5: {  	_ = 	snop  }
0x6: {  	_ = 	snop  }
0x7: {  	_ = 	snop  }
__scs_overlays_trampoline_lowered:
0x8: {  	[smem:$0x3FA9] =	sst s0  }
0x9: {  	[smem:$0x3FAA] =	sst s1  }
0xa: {  	[smem:$0x3FAB] =	sst s2  }
0xb: {  	[smem:$0x3FAC] =	sst s3  }
0xc: {  	[smem:$0x3FAD] =	sst s4  }
0xd: {  	[smem:$0x3FAE] =	sst s5  }
0xe: {  	[smem:$0x3FAF] =	sst s6  }
0xf: {  	[smem:$0x3FB0] =	sst s7  }
0x10: {  	[smem:$0x3FB1] =	sst s8  }
0x11: {  	[smem:$0x3FB2] =	sst s9;
	s0 =	simm.s32 @!p0 $0x0  }
0x12: {  	s1 =	sld [smem:$0x3F98];
	s0 =	simm.s32 @p0 $0x1  }
0x13: {  	[smem:$0x3FB3] =	sst s0;
	s0 =	simm.s32 @!p1 $0x0  }
0x14: {  	s2 =	sld [smem:$0x3F97];
	s0 =	simm.s32 @p1 $0x1  }
0x15: {  	[smem:$0x3FB4] =	sst s0;
	s0 =	simm.s32 @!p2 $0x0  }
0x16: {  	s3 =	sld [smem:$0x3FDB];
	s0 =	simm.s32 @p2 $0x1  }
0x17: {  	s4 =	simm.s32 $0x1BF5;
	[smem:$0x3FB6] =	sst s0  }
0x18: {  	s0 =	sld [smem:$0x3F99];
	_ =	swait.ge [sflag:s4], $0x0  }
0x19: {  	s7 =	sld [smem:$0x3F9A]  }
0x1a: {  	s8 =	sadd.s32 $0xFFFFE003, lr  }
0x1b: {  	s9 =	sadd.s32 $0xFFFFFEF7, lr;
	s5 =	simm.s32 $0xFFFFFFFF;
	p2 =	slt.u32 s8, $0xFFFFF086  }
0x1c: {  	p1 =	slt.u32 s9, $0xF7A;
	s5 =	simm.s32 @!p2 $0x0  }
0x1d: {  	s5 =	simm.s32 @p1 $0x1;
	p0 =	seq.s32 s7, s2  }
0x1e: {  	s7 =	smul.u32 @!p0 $0xF7A, s2;
	p2 =	seq.s32 @!p0 s5, $0x0  }
0x1f: {  	s9 =	smul.u32 $0xF7A, s1;
	s8 =	simm.s32 @!p0 $0x1BF5;
	p2 =	por !p2, p0  }
0x20: {  	[sflag:s8] =	ssyncset.s32 @!p0 $0xFFFFF086;
	s6 =	sadd.s32 @!p0 s3, s7;
	s7 =	simm.s32 @!p0 $0x108  }
0x21: {  	s3 =	sadd.s32 s3, s9;
	s6 =	sadd.s32 @!p0 $0x88, s6;
	s7 =	simm.s32 @p2 $0x1082  }
0x22: {  	[simem:s7], [sflag:s8] =	dma.local @!p0 [hbm:s6], $0xF7A  }
0x23: {  	s9 =	sor.u32 $0xD0000000, s2;
	s6 =	simm.s32 $0x108;
	_ =	swait.ge @!p0 [sflag:s8], $0x0  }
0x24: {  	s3 =	sadd.s32 $0x88, s3;
	s6 =	simm.s32 @!p1 $0x1082;
	[sflag:s4] =	ssyncset.s32 $0xFFFFF086  }
0x25: {  	[simem:s6], [sflag:s4] =	dma.local [hbm:s3], $0xF7A  }
0x26: {  	[smem:$0x3F9A] =	sst s1;
	(tag) =	ssettag s2;
	_ =	strace s9  }
0x27: {  	s1 =	sld [smem:$0x3FAA]  }
0x28: {  	s2 =	sld [smem:$0x3FAB]  }
0x29: {  	s4 =	sld [smem:$0x3FAD]  }
0x2a: {  	p0 =	seq.s32 s5, $0x0;
	s5 =	sld [smem:$0x3FAE]  }
0x2b: {  	s6 =	sld [smem:$0x3FAF]  }
0x2c: {  	s7 =	sld [smem:$0x3FB0]  }
0x2d: {  	s3 =	simm.s32 $0x108;
	s8 =	sld [smem:$0x3FB1]  }
0x2e: {  	s3 =	simm.s32 @!p0 $0x1082;
	s9 =	sld [smem:$0x3FB2]  }
0x2f: {  	lr =	sadd.s32 s0, s3;
	s0 =	sld [smem:$0x3FA9]  }
0x30: {  	s3 =	sld [smem:$0x3FAC]  }
0x31: {  	[smem:$0x3FB5] =	sst s10  }
0x32: {  	s10 =	sld [smem:$0x3FB3];
	_ =	sdelay $0x3  }
0x33: {  	p0 =	seq.s32 s10, $0x1;
	s10 =	sld [smem:$0x3FB5];
	_ =	sdelay $0x3  }
0x34: {  	[smem:$0x3FB5] =	sst s10  }
0x35: {  	s10 =	sld [smem:$0x3FB4];
	_ =	sdelay $0x3  }
0x36: {  	p1 =	seq.s32 s10, $0x1;
	s10 =	sld [smem:$0x3FB5];
	_ =	sdelay $0x3  }
0x37: {  	[smem:$0x3FB5] =	sst s10  }
0x38: {  	s10 =	sld [smem:$0x3FB6]  }
0x39: {  	_ = 	snop;
	(pc) =	sbr.ind lr, $3  }
0x3a: {  	_ = 	snop  }
0x3b: {  	_ = 	snop  }
0x3c: {  	p2 =	seq.s32 s10, $0x1;
	s10 =	sld [smem:$0x3FB5]  }
0x3d: {  	_ =	shalt  }
0x3e: {  	_ =	shalt  }
0x3f: {  	_ =	shalt  }
0x40: {  	_ =	shalt  }
0x41: {  	_ =	shalt  }
0x42: {  	_ =	shalt  }
0x43: {  	_ =	shalt  }
0x44: {  	_ =	shalt  }
0x45: {  	_ =	shalt  }
0x46: {  	_ =	shalt  }
0x47: {  	_ =	shalt  }
0x48: {  	_ =	shalt  }
0x49: {  	_ =	shalt  }
0x4a: {  	_ =	shalt  }
0x4b: {  	_ =	shalt  }
0x4c: {  	_ =	shalt  }
0x4d: {  	_ =	shalt  }
0x4e: {  	_ =	shalt  }
0x4f: {  	_ =	shalt  }
0x50: {  	_ =	shalt  }
0x51: {  	_ =	shalt  }
0x52: {  	_ =	shalt  }
0x53: {  	_ =	shalt  }
0x54: {  	_ =	shalt  }
0x55: {  	_ =	shalt  }
0x56: {  	_ =	shalt  }
0x57: {  	_ =	shalt  }
0x58: {  	_ =	shalt  }
0x59: {  	_ =	shalt  }
0x5a: {  	_ =	shalt  }
0x5b: {  	_ =	shalt  }
0x5c: {  	_ =	shalt  }
0x5d: {  	_ =	shalt  }
0x5e: {  	_ =	shalt  }
0x5f: {  	_ =	shalt  }
0x60: {  	_ =	shalt  }
0x61: {  	_ =	shalt  }
0x62: {  	_ =	shalt  }
0x63: {  	_ =	shalt  }
0x64: {  	_ =	shalt  }
0x65: {  	_ =	shalt  }
0x66: {  	_ =	shalt  }
0x67: {  	_ =	shalt  }
0x68: {  	_ =	shalt  }
0x69: {  	_ =	shalt  }
0x6a: {  	_ =	shalt  }
0x6b: {  	_ =	shalt  }
0x6c: {  	_ =	shalt  }
0x6d: {  	_ =	shalt  }
0x6e: {  	_ =	shalt  }
0x6f: {  	_ =	shalt  }
0x70: {  	_ =	shalt  }
0x71: {  	_ =	shalt  }
0x72: {  	_ =	shalt  }
0x73: {  	_ =	shalt  }
0x74: {  	_ =	shalt  }
0x75: {  	_ =	shalt  }
0x76: {  	_ =	shalt  }
0x77: {  	_ =	shalt  }
0x78: {  	_ =	shalt  }
0x79: {  	_ =	shalt  }
0x7a: {  	_ =	shalt  }
0x7b: {  	_ =	shalt  }
0x7c: {  	_ =	shalt  }
0x7d: {  	_ =	shalt  }
0x7e: {  	_ =	shalt  }
0x7f: {  	_ =	shalt  }
0x80: {  	_ =	shalt  }
0x81: {  	_ =	shalt  }
0x82: {  	_ =	shalt  }
0x83: {  	_ =	shalt  }
0x84: {  	_ =	shalt  }
0x85: {  	_ =	shalt  }
0x86: {  	_ =	shalt  }
0x87: {  	_ =	shalt  }
.Lfunc_end0:
.L_simem_size_0:
called_computation_lowered:
.L_overlay_start_0:
0x88: {  	s2 =	sld [smem:$0x3FD9]  }
0x89: {  	s3 =	sld [smem:$0x3FFE];
	_ =	sdelay $0x1  }
0x8a: {  	s1 =	srdreg.scid  }
0x8b: {  	s0 =	sand.u32 $0x1, s1  }
0x8c: {  	s15 =	sshll.u32 s0, $0xA;
	s2 =	sadd.s32 s3, s2  }
0x8d: {  	s2 =	sadd.s32 s2, s15  }
0x8e: {  	[smem:$0x3FC1] =	sst s2  }
0x8f: {  	_ = 	snop  }
0x90: {  	s2 =	sld [smem:$0x3FD0];
	_ =	sdelay $0x2  }
0x91: {  	s16 =	simm.s32 $0xA;
	s4 =	simm.s32 $0x10  }
0x92: {  	[smem:s4], [sflag:s16] =	dma.local [hbm:s2], $0x1  }
0x93: {  	_ =	swait.eq [sflag:s16], $0x1  }
0x94: {  	[sflag:s16] =	ssyncset.done $0x0  }
0x95: {  	s17 =	sld [smem:$0x10];
	[sflag:s16] =	ssyncadd.s32 $0xFFFFFFFF  }
0x96: {  	s18 =	sld [smem:$0x11];
	(tm) =	ssettm $0x1  }
0x97: {  	s19 =	sld [smem:$0x3FFB];
	_ =	sdelay $0x3  }
0x98: {  	_ =	strace s19  }
0x99: {  	s4 =	sld [smem:$0x3FFC];
	_ =	sdelay $0x3  }
0x9a: {  	_ =	strace s4  }
0x9b: {  	s4 =	sld [smem:$0x3FFD];
	_ =	sdelay $0x3  }
0x9c: {  	_ =	strace s4  }
0x9d: {  	_ =	strace $0x8FFFFFFF  }
0x9e: {  	s20 =	sld [smem:$0x3FDB];
	_ =	sdelay $0x1  }
0x9f: {  	s5 =	simm.s32 $_scs_section_size  }
0xa0: {  	s6 =	simm.s32 $_size__tile_overlayer_lowered;
	s7 =	simm.s32 $_tile_overlayer_lowered  }
0xa1: {  	s23 =	simm.s32 $0x1BFF;
	s22 =	sshll.u32 s7, $0x1;
	s4 =	sadd.s32 s5, s20  }
0xa2: {  	s8 =	simm.s32 $0x0;
	s21 =	sshll.u32 s6, $0x1;
	s6 =	sadd.s32 s22, s4  }
0xa3: {  	[timem:s8], [sflag:s23] =	dma.local [hbm:s6], s21  }
0xa4: {  	_ =	swait.ge [sflag:s23], s21  }
0xa5: {  	s5 =	ssub.s32 $0x0, s21;
	[sflag:s23] =	ssyncset.done $0x0  }
0xa6: {  	[sflag:s23] =	ssyncadd.s32 s5;
	_ =	sdelay $0x1  }
0xa7: {  	s24 =	simm.s32 $0x1B8B  }
0xa8: {  	_ =	swait.ge [sflag:s24], $0x1  }
0xa9: {  	[sflag:s24] =	ssyncset.done $0x0  }
0xaa: {  	s25 =	simm.s32 $0x1B8E;
	[sflag:s24] =	ssyncadd.s32 $0xFFFFFFFF  }
0xab: {  	s26 =	simm.s32 $execute0_lowered;
	[smem:$0x3FD2] =	sst s25  }
0xac: {  	s5 =	sshll.u32 s26, $0x1;
	_ =	strace $0x80000046;
	[dreg:$0x1] =	wrdreg $0xFFFFFFFF  }
0xad: {  	s28 =	simm.s32 $_size_execute0_lowered;
	s4 =	sadd.s32 s4, s5;
	[dreg:$0x0] =	wrdreg $0x0  }
0xae: {  	s5 =	sshll.u32 s28, $0x1;
	[dreg:$0x2] =	wrdreg s4  }
0xaf: {  	[dreg:$0x3] =	wrdreg s5  }
0xb0: {  	[dreg:$0x4] =	wrdreg $0xC0  }
0xb1: {  	_ =	task [dreg:s8], $0x5FFFF  }
0xb2: {  	[dreg:$0x1] =	wrdreg $0xFFFFFFFF  }
0xb3: {  	[dreg:$0x0] =	wrdreg $0x60  }
0xb4: {  	[dreg:$0x2] =	wrdreg s17  }
0xb5: {  	[dreg:$0x3] =	wrdreg s18  }
0xb6: {  	[dreg:$0x4] =	wrdreg $0x9  }
0xb7: {  	_ =	task.clear_ibuf [dreg:s8], $0x5FFFF;
	_ =	strace $0x90000046  }
0xb8: {  	s29 =	simm.s32 $0x9;
	_ =	strace $0x80000048  }
0xb9: {  	_ =	swait.ge [sflag:s29], $0x1  }
0xba: {  	[sflag:s29] =	ssyncadd.s32 $0xFFFFFFFF  }
0xbb: {  	_ =	strace $0x90000048  }
0xbc: {  	_ =	sfence  }
0xbd: {  	s30 =	sld [smem:$0x0];
	_ =	sdelay $0x2  }
0xbe: {  	s31 =	sshll.u32 s1, $0xD;
	s1 =	sshrl.u32 s1, $0x2  }
0xbf: {  	s3 =	sand.u32 $0x4000, s31;
	s1 =	sadd.s32 s1, s30  }
0xc0: {  	s0 =	sor.u32 s3, s0;
	s1 =	sshll.u32 s1, $0x11  }
0xc1: {  	s0 =	sor.u32 s1, s0  }
0xc2: {  	s0 =	sadd.s32 $0x8F2B, s0  }
0xc3: {  	[sflag:s0] =	ssyncadd.remote.s32 $0x1  }
0xc4: {  	_ =	sfence.sel $0xFFFF  }
0xc5: {  	[dreg:$0x0] =	wrdreg $0xFFFFFFFF;
	(pc) =	sbr.abs _section_cstart, $3  }
0xc6: {  	[dreg:$0x1] =	wrdreg $0xFFFFFFFF  }
0xc7: {  	_ =	task.clear_ibuf [dreg:s8], $0x2FFFF;
	_ =	strace $0x9FFFFFFF  }
0xc8: {  	(tm) =	ssettm $0x7FFFFFFF  }
0xc9: {  	_ =	shalt  }
tec
execute0_lowered:
.L_overlay_start_1:
0x0: {  	(tag) =	ssettag $0x1  }
0x1: {  	s0 =	stileid.u32  }
0x2: {  	s4 =	rddreg [dreg:$0x0];
	s1 =	srdreg.scid  }
0x3: {  	s6 =	rddreg [dreg:$0x1];
	s10 =	simm.s32 $0x1;
	s11 =	simm.s32 $0x100  }
0x4: {  	s12 =	simm.s32 $0x0;
	s2 =	sshll.u32 s0, $0x1;
	s5 =	sand.u32 $0x1, s1  }
0x5: {  	s1 =	rddreg [dreg:$0x2];
	s8 =	sshll.u32 s0, $0x5;
	s2 =	sand.u32 $0x6, s2  }
0x6: {  	s7 =	sshll.u32 s0, $0x8;
	s8 =	sand.u32 $0x180, s8;
	s3 =	sor.u32 s5, s2  }
0x7: {  	s2 =	simm.s32 $0x0;
	s5 =	ssub.s32 $0x2, s5;
	s3 =	sshll.u32 s3, $0x5  }
0x8: {  	s31 =	sshrl.u32 s8, $0x3;
	[smem:$0x7FF] =	sst s2;
	s7 =	sor.u32 s3, s7  }
0x9: {  	s9 =	sshrl.u32 s5, $0x1;
	s4 =	sadd.s32 s4, s31;
	s7 =	sand.u32 $0x260, s7  }
0xa: {  	_ =	strace $0x80000047;
	s9 =	ssub.s32 s5, s9;
	s7 =	sor.u32 s8, s7  }
0xb: {  	v1 =	vlaneseq.u32;
	s5 =	sor.u32 $0x10, s3;
	s8 =	simm.s32 $0x80;
	s7 =	sshrl.u32 s7, $0x3  }
0xc: {  	v2 =	vimm.s32 $0x0;
	v0 =	vor.u32 s3, v1;
	v1 =	vor.u32 s5, v1;
	s6 =	sadd.s32 s6, s7;
	s7 =	smax.u32 s9, $0x1;
	s9 =	simm.s32 $0x200  }
.LBB2_1:
0xd: {  	[tilespmem:s2], [sflag:$0x1] =	stream.strided.gather [hbm4b:s4+s8], $0x100, s9, s8, $0x38;
	[tilespmem:$0x180] =	vst v63  }
0xe: {  	s13 =	simm.s32 $0xF  }
0xf: {  	s14 =	simm.s32 $0xD;
	s15 =	simm.s32 $0xE;
	s21 =	simm.s32 $0xB;
	v3 =	vmov s13  }
0x10: {  	s16 =	simm.s32 $0xC;
	s22 =	simm.s32 $0x7;
	s23 =	simm.s32 $0x8;
	v4 =	vmov s14;
	v5 =	vmov s15;
	v6 =	vmov s21  }
0x11: {  	s17 =	simm.s32 $0x9;
	s24 =	simm.s32 $0x4;
	s25 =	simm.s32 $0x5;
	v7 =	vmov s16;
	v8 =	vmov s22;
	v9 =	vmov s23  }
0x12: {  	s26 =	simm.s32 $0x6;
	s28 =	simm.s32 $0x1;
	s29 =	simm.s32 $0x2;
	v10 =	vmov s17;
	v11 =	vmov s24;
	v12 =	vmov s25  }
0x13: {  	s30 =	simm.s32 $0x3;
	s31 =	simm.s32 $0x0;
	_ =	swait.ge [sflag:s10], $0x100;
	v13 =	vmov s26;
	v14 =	vmov s28;
	v15 =	vmov s29  }
0x14: {  	s20 =	simm.s32 $0xA;
	v16 =	vmov s30;
	v17 =	vmov s31;
	[sflag:s10] =	ssyncset.done $0x0;
	vm8 =	vlt.u32 v3, v0  }
0x15: {  	v3 =	vmov s20;
	vm10 =	vlt.u32 v4, v0;
	vm9 =	vlt.u32 v5, v0;
	[sflag:s10] =	ssyncadd.s32 $0xFFFFFF00  }
0x16: {  	vm6 =	vlt.u32 v8, v0;
	vm7 =	vlt.u32 v9, v0;
	vm5 =	vlt.u32 v13, v0;
	v18 =	vld [tilespmem:s2+$0x0]  }
0x17: {  	vm4 =	vlt.u32 v12, v0;
	vm0 =	vlt.u32 v3, v0;
	v3 =	vimm.s32 $0x0  }
0x18: {  	vm11 =	vlt.u32 v11, v0;
	vm12 =	vlt.u32 v16, v0;
	v3 =	vsel vm0, $0xFFFFFFFF, v3  }
0x19: {  	vm13 =	vlt.u32 v15, v0;
	vm0 =	vlt.u32 v6, v0;
	[tilespmem:$0x1FFC0] =	vst v3;
	v3 =	vimm.s32 $0x0  }
0x1a: {  	vm14 =	vlt.u32 v14, v0;
	v3 =	vsel vm0, $0xFFFFFFFF, v3;
	vm0 =	vlt.u32 v7, v0  }
0x1b: {  	[tilespmem:$0x1FFD0] =	vst v3;
	v3 =	vimm.s32 $0x0;
	v4 =	vbroadcast v18, $0xE;
	v6 =	vbroadcast v18, $0xF  }
0x1c: {  	v3 =	vsel vm0, $0xFFFFFFFF, v3;
	v9 =	vbroadcast v18, $0xC;
	v8 =	vbroadcast v18, $0xD  }
0x1d: {  	vm0 =	vlt.u32 v10, v0;
	v7 =	vbroadcast v18, $0xA;
	v5 =	vbroadcast v18, $0xB  }
0x1e: {  	[tilespmem:$0x1FFE0] =	vst v3;
	v3 =	vimm.s32 $0x0;
	v10 =	vbroadcast v18, $0x8;
	v11 =	vbroadcast v18, $0x9  }
0x1f: {  	v13 =	vbroadcast v18, $0x6;
	v12 =	vbroadcast v18, $0x7;
	v3 =	vsel vm0, $0xFFFFFFFF, v3  }
0x20: {  	s13 =	simm.s32 $0x1F;
	s14 =	simm.s32 $0x0;
	v14 =	vimm.s32 $0x0;
	v16 =	vbroadcast v18, $0x4;
	v15 =	vbroadcast v18, $0x5;
	[tilespmem:$0x1FFF0] =	vst v3;
	v3 =	vld [tilespmem:s3+$0x0]  }
.LBB2_2:
0x21: {  	v19 =	vimm.s32 $0x0  }
0x22: {  	vm1 =	vlt.u32 v17, v0;
	v17 =	vbroadcast v18, $0x2;
	v20 =	vbroadcast v18, $0x0  }
0x23: {  	v21 =	vimm.s32 $0x0;
	v55 =	vimm.s32 $0x0;
	v56 =	vimm.s32 $0x0  }
0x24: {  	v57 =	vimm.s32 $0x0;
	v58 =	vimm.s32 $0x0;
	v59 =	vimm.s32 $0x0  }
0x25: {  	v60 =	vimm.s32 $0x0;
	v61 =	vimm.s32 $0x0;
	v62 =	vimm.s32 $0x0  }
0x26: {  	v19 =	vsel vm6, $0xFFFFFFFF, v19;
	vm0 =	veq.f32 v6, v3;
	vm6 =	veq.f32 v13, v3  }
0x27: {  	vm2 =	veq.f32 v15, v3;
	[tilespmem:$0x1FEF0] =	vst v19;
	v19 =	vimm.s32 $0x0;
	v21 =	vsel vm0, $0xFFFFFFFF, v21  }
0x28: {  	vm0 =	veq.f32 v9, v3;
	vm15 =	vgt.f32 v20, v3;
	v19 =	vsel vm10, $0xFFFFFFFF, v19;
	[tilespmem:$0x1FFA0] =	vst v21  }
0x29: {  	vm3 =	veq.f32 v17, v3;
	v21 =	vsel vm0, $0xFFFFFFFF, v55;
	vm0 =	veq.f32 v8, v3;
	[tilespmem:$0x1FF70] =	vst v19  }
0x2a: {  	vm10 =	vmmov vm7;
	v19 =	vimm.s32 $0x0;
	[tilespmem:$0x1FF50] =	vst v21;
	v21 =	vsel vm0, $0xFFFFFFFF, v56  }
0x2b: {  	vm7 =	veq.f32 v16, v3;
	vm0 =	veq.f32 v4, v3;
	v19 =	vsel vm9, $0xFFFFFFFF, v19;
	[tilespmem:$0x1FF60] =	vst v21  }
0x2c: {  	v63 =	vsel vm15, $0x1, v2;
	v21 =	vsel vm0, $0xFFFFFFFF, v57;
	vm0 =	veq.f32 v11, v3;
	[tilespmem:$0x1FF90] =	vst v19  }
0x2d: {  	vm15 =	veq.f32 v20, v3;
	v19 =	vimm.s32 $0x0;
	[tilespmem:$0x1FF80] =	vst v21;
	v21 =	vsel vm0, $0xFFFFFFFF, v58  }
0x2e: {  	v14 =	vadd.s32 v63, v14;
	vm0 =	veq.f32 v7, v3;
	v19 =	vsel vm8, $0xFFFFFFFF, v19;
	[tilespmem:$0x1FF20] =	vst v21  }
0x2f: {  	v21 =	vsel vm0, $0xFFFFFFFF, v59;
	vm0 =	veq.f32 v5, v3;
	[tilespmem:$0x1FFB0] =	vst v19;
	v19 =	vbroadcast v18, $0x3  }
0x30: {  	v18 =	vbroadcast v18, $0x1;
	[tilespmem:$0x1FF30] =	vst v21;
	v21 =	vsel vm0, $0xFFFFFFFF, v60;
	vm0 =	veq.f32 v12, v3  }
0x31: {  	vm1 =	vmand vm1, vm15;
	[tilespmem:$0x1FF40] =	vst v21;
	v21 =	vsel vm0, $0xFFFFFFFF, v61;
	vm0 =	veq.f32 v10, v3  }
0x32: {  	[tilespmem:$0x1FF00] =	vst v21;
	v21 =	vsel vm0, $0xFFFFFFFF, v62;
	vm0 =	vmmov vm4;
	vm4 =	vgt.f32 v18, v3  }
0x33: {  	vm9 =	veq.f32 v18, v3;
	v18 =	vsel vm4, $0x1, v2;
	vm4 =	vgt.f32 v17, v3  }
0x34: {  	v17 =	vsel vm4, $0x1, v2;
	vm4 =	vgt.f32 v19, v3;
	v14 =	vadd.s32 v18, v14  }
0x35: {  	v18 =	vsel vm4, $0x1, v2;
	vm4 =	vgt.f32 v16, v3;
	v14 =	vadd.s32 v17, v14  }
0x36: {  	v16 =	vsel vm4, $0x1, v2;
	vm4 =	vgt.f32 v15, v3;
	v14 =	vadd.s32 v18, v14  }
0x37: {  	v15 =	vsel vm4, $0x1, v2;
	vm4 =	vgt.f32 v13, v3;
	v13 =	vadd.s32 v16, v14  }
0x38: {  	v14 =	vsel vm4, $0x1, v2;
	vm4 =	vgt.f32 v12, v3;
	v12 =	vadd.s32 v15, v13  }
0x39: {  	v13 =	vsel vm4, $0x1, v2;
	vm4 =	vgt.f32 v10, v3;
	v10 =	vadd.s32 v14, v12  }
0x3a: {  	v12 =	vsel vm4, $0x1, v2;
	vm4 =	vgt.f32 v11, v3;
	v10 =	vadd.s32 v13, v10  }
0x3b: {  	v11 =	vsel vm4, $0x1, v2;
	vm4 =	vgt.f32 v7, v3;
	v7 =	vadd.s32 v12, v10  }
0x3c: {  	v10 =	vsel vm4, $0x1, v2;
	vm4 =	vgt.f32 v5, v3;
	v5 =	vadd.s32 v11, v7  }
0x3d: {  	v7 =	vsel vm4, $0x1, v2;
	vm4 =	vgt.f32 v9, v3;
	v5 =	vadd.s32 v10, v5  }
0x3e: {  	v9 =	vsel vm4, $0x1, v2;
	vm4 =	vgt.f32 v8, v3;
	v5 =	vadd.s32 v7, v5  }
0x3f: {  	v7 =	vsel vm4, $0x1, v2;
	vm4 =	vgt.f32 v4, v3;
	v4 =	vadd.s32 v9, v5  }
0x40: {  	v5 =	vsel vm4, $0x1, v2;
	vm4 =	vgt.f32 v6, v3;
	v4 =	vadd.s32 v7, v4  }
0x41: {  	vm8 =	veq.f32 v19, v3;
	v7 =	vld [tilespmem:$0x1FEF0];
	v6 =	vsel vm4, $0x1, v2;
	v4 =	vadd.s32 v5, v4  }
0x42: {  	v5 =	vsel vm1, $0x1, v2;
	vm1 =	vmand vm14, vm9;
	v4 =	vadd.s32 v6, v4  }
0x43: {  	v6 =	vsel vm1, $0x1, v2;
	vm1 =	vmand vm13, vm3;
	v4 =	vadd.s32 v5, v4  }
0x44: {  	v5 =	vsel vm1, $0x1, v2;
	vm1 =	vmand vm12, vm8;
	v4 =	vadd.s32 v6, v4  }
0x45: {  	v6 =	vsel vm1, $0x1, v2;
	vm1 =	vmand vm11, vm7;
	v4 =	vadd.s32 v5, v4  }
0x46: {  	v5 =	vsel vm1, $0x1, v2;
	vm1 =	vmand vm0, vm2;
	vm0 =	vnez.u8 v7;
	v7 =	vld [tilespmem:$0x1FF00];
	_ =	sdelay $0x3  }
0x47: {  	[tilespmem:$0x1FF10] =	vst v21;
	v4 =	vadd.s32 v6, v4;
	v6 =	vsel vm1, $0x1, v2;
	vm1 =	vmand vm5, vm6  }
0x48: {  	v4 =	vadd.s32 v5, v4;
	v5 =	vsel vm1, $0x1, v2;
	vm1 =	vnez.u8 v7;
	v7 =	vld [tilespmem:$0x1FF10];
	_ =	sdelay $0x4  }
0x49: {  	vm1 =	vmand vm0, vm1;
	vm0 =	vnez.u8 v7;
	v7 =	vld [tilespmem:$0x1FFF0];
	_ =	sdelay $0x3  }
0x4a: {  	v4 =	vadd.s32 v6, v4;
	vm0 =	vmand vm10, vm0  }
0x4b: {  	v4 =	vadd.s32 v5, v4;
	v5 =	vsel vm0, $0x1, v2;
	vm0 =	vnez.u8 v7;
	v7 =	vld [tilespmem:$0x1FF20];
	_ =	sdelay $0x4  }
0x4c: {  	v6 =	vsel vm1, $0x1, v2;
	vm1 =	vnez.u8 v7;
	v7 =	vld [tilespmem:$0x1FFC0];
	_ =	sdelay $0x3  }
0x4d: {  	vm0 =	vmand vm0, vm1  }
0x4e: {  	v4 =	vadd.s32 v6, v4;
	v6 =	vsel vm0, $0x1, v2;
	vm0 =	vnez.u8 v7;
	v7 =	vld [tilespmem:$0x1FF30];
	_ =	sdelay $0x4  }
0x4f: {  	vm1 =	vnez.u8 v7;
	v7 =	vld [tilespmem:$0x1FFD0];
	_ =	sdelay $0x3  }
0x50: {  	vm0 =	vmand vm0, vm1  }
0x51: {  	v4 =	vadd.s32 v5, v4;
	v5 =	vsel vm0, $0x1, v2;
	vm0 =	vnez.u8 v7;
	v7 =	vld [tilespmem:$0x1FF40];
	_ =	sdelay $0x4  }
0x52: {  	vm1 =	vnez.u8 v7;
	v7 =	vld [tilespmem:$0x1FFE0];
	_ =	sdelay $0x3  }
0x53: {  	vm0 =	vmand vm0, vm1  }
0x54: {  	v4 =	vadd.s32 v6, v4;
	v6 =	vsel vm0, $0x1, v2;
	vm0 =	vnez.u8 v7;
	v7 =	vld [tilespmem:$0x1FF50];
	_ =	sdelay $0x4  }
0x55: {  	vm1 =	vnez.u8 v7;
	v7 =	vld [tilespmem:$0x1FF60];
	_ =	sdelay $0x3  }
0x56: {  	vm0 =	vmand vm0, vm1  }
0x57: {  	v4 =	vadd.s32 v5, v4;
	v5 =	vsel vm0, $0x1, v2;
	vm0 =	vnez.u8 v7;
	v7 =	vld [tilespmem:$0x1FF70];
	_ =	sdelay $0x4  }
0x58: {  	vm1 =	vnez.u8 v7;
	v7 =	vld [tilespmem:$0x1FF80];
	_ =	sdelay $0x3  }
0x59: {  	vm0 =	vmand vm1, vm0  }
0x5a: {  	v4 =	vadd.s32 v6, v4;
	v6 =	vsel vm0, $0x1, v2;
	vm0 =	vnez.u8 v7;
	v7 =	vld [tilespmem:$0x1FF90];
	_ =	sdelay $0x4  }
0x5b: {  	vm1 =	vnez.u8 v7;
	v7 =	vld [tilespmem:$0x1FFA0]  }
0x5c: {  	s14 =	sadd.s32 $0x10, s14;
	s30 =	sadd.s32 $0xFFFFFFF4, s13  }
0x5d: {  	s28 =	sadd.s32 $0xFFFFFFF2, s13;
	s29 =	sadd.s32 $0xFFFFFFF3, s13;
	s31 =	sadd.s32 $0xFFFFFFF1, s13;
	v20 =	vmov s30  }
0x5e: {  	s25 =	sadd.s32 $0xFFFFFFF6, s13;
	s26 =	sadd.s32 $0xFFFFFFF7, s13;
	v19 =	vmov s29;
	v17 =	vmov s31;
	v18 =	vld [tilespmem:s14+$0x0];
	v16 =	vmov s28  }
0x5f: {  	v15 =	vmov s26;
	v13 =	vmov s25;
	vm0 =	vmand vm1, vm0  }
0x60: {  	s23 =	sadd.s32 $0xFFFFFFF9, s13;
	s20 =	sadd.s32 $0xFFFFFFFA, s13;
	s24 =	sadd.s32 $0xFFFFFFF5, s13;
	v4 =	vadd.s32 v5, v4;
	v5 =	vsel vm0, $0x1, v2;
	vm0 =	vnez.u8 v7;
	v7 =	vld [tilespmem:$0x1FFB0]  }
0x61: {  	s19 =	sadd.s32 $0xFFFFFFFD, s13;
	s22 =	sadd.s32 $0xFFFFFFF8, s13;
	v12 =	vmov s24;
	v11 =	vmov s20;
	v10 =	vmov s23  }
0x62: {  	v8 =	vmov s19;
	v9 =	vmov s22;
	vm4 =	vlt.u32 v13, v0  }
0x63: {  	v13 =	vbroadcast v18, $0x6;
	vm14 =	vlt.u32 v16, v0;
	v16 =	vbroadcast v18, $0x4  }
0x64: {  	vm13 =	vlt.u32 v19, v0;
	vm7 =	vlt.u32 v10, v0;
	vm11 =	vlt.u32 v12, v0  }
0x65: {  	v10 =	vbroadcast v18, $0x8;
	v4 =	vadd.s32 v6, v4;
	vm1 =	vnez.u8 v7  }
0x66: {  	v4 =	vadd.s32 v5, v4;
	v5 =	vmov s13;
	vm0 =	vmand vm1, vm0  }
0x67: {  	s15 =	sadd.s32 $0xFFFFFFFE, s13;
	s17 =	sadd.s32 $0xFFFFFFFB, s13;
	v12 =	vbroadcast v18, $0x7;
	vm8 =	vlt.u32 v5, v0;
	v6 =	vsel vm0, $0x1, v2  }
0x68: {  	v5 =	vmov s17;
	v14 =	vadd.s32 v6, v4;
	v4 =	vmov s15  }
0x69: {  	s18 =	sadd.s32 $0xFFFFFFFC, s13;
	vm0 =	vlt.u32 v5, v0;
	vm10 =	vlt.u32 v4, v0;
	v4 =	vimm.s32 $0x0  }
0x6a: {  	vm6 =	vlt.u32 v9, v0;
	v7 =	vmov s18;
	v4 =	vsel vm0, $0xFFFFFFFF, v4  }
0x6b: {  	vm5 =	vlt.u32 v15, v0;
	vm0 =	vlt.u32 v7, v0;
	[tilespmem:$0x1FFC0] =	vst v4;
	v4 =	vimm.s32 $0x0  }
0x6c: {  	p0 =	sne.s32 s13, $0xFF;
	s16 =	sadd.s32 $0xFFFFFFFF, s13;
	v9 =	vbroadcast v18, $0xC;
	v15 =	vbroadcast v18, $0x5;
	v4 =	vsel vm0, $0xFFFFFFFF, v4  }
.Ltmp0:
0x6d: {  	v6 =	vmov s16;
	vm0 =	vlt.u32 v8, v0;
	[tilespmem:$0x1FFD0] =	vst v4;
	v4 =	vimm.s32 $0x0;
	(pc) =	sbr.rel @p0 .LBB2_2-.Ltmp0, $4  }
0x6e: {  	v5 =	vbroadcast v18, $0xB;
	vm9 =	vlt.u32 v6, v0;
	v4 =	vsel vm0, $0xFFFFFFFF, v4  }
0x6f: {  	v6 =	vbroadcast v18, $0xF;
	vm0 =	vlt.u32 v11, v0;
	[tilespmem:$0x1FFE0] =	vst v4;
	v4 =	vimm.s32 $0x0  }
0x70: {  	v7 =	vbroadcast v18, $0xA;
	v8 =	vbroadcast v18, $0xD;
	v4 =	vsel vm0, $0xFFFFFFFF, v4  }
0x71: {  	vm12 =	vlt.u32 v20, v0;
	s13 =	sadd.s32 $0x10, s13;
	v11 =	vbroadcast v18, $0x9;
	[tilespmem:$0x1FFF0] =	vst v4;
	v4 =	vbroadcast v18, $0xE  }
0x72: {  	v19 =	vbroadcast v18, $0x0;
	v20 =	vbroadcast v18, $0x1  }
0x73: {  	v21 =	vbroadcast v18, $0x2  }
0x74: {  	v18 =	vbroadcast v18, $0x3;
	vm0 =	vgt.f32 v19, v3;
	vm1 =	vgt.f32 v20, v3  }
0x75: {  	v22 =	vsel vm0, $0x1, v2;
	v23 =	vsel vm1, $0x1, v2;
	vm0 =	vgt.f32 v21, v3  }
0x76: {  	vm1 =	vgt.f32 v16, v3;
	v24 =	vsel vm0, $0x1, v2;
	vm0 =	vgt.f32 v18, v3  }
0x77: {  	v26 =	vsel vm1, $0x1, v2;
	vm1 =	vgt.f32 v12, v3;
	v14 =	vadd.s32 v22, v14  }
0x78: {  	v25 =	vsel vm0, $0x1, v2;
	vm0 =	vgt.f32 v15, v3;
	v29 =	vsel vm1, $0x1, v2  }
0x79: {  	v14 =	vadd.s32 v23, v14;
	v27 =	vsel vm0, $0x1, v2;
	vm0 =	vgt.f32 v13, v3  }
0x7a: {  	vm1 =	vgt.f32 v4, v3;
	v28 =	vsel vm0, $0x1, v2;
	vm0 =	vgt.f32 v10, v3  }
0x7b: {  	v14 =	vadd.s32 v24, v14;
	v59 =	vsel vm0, $0x1, v2;
	vm0 =	vgt.f32 v11, v3  }
0x7c: {  	v63 =	vsel vm1, $0x1, v2;
	v60 =	vsel vm0, $0x1, v2;
	vm0 =	vgt.f32 v7, v3  }
0x7d: {  	vm1 =	veq.f32 v19, v3;
	v61 =	vsel vm0, $0x1, v2;
	vm0 =	vgt.f32 v5, v3  }
0x7e: {  	v14 =	vadd.s32 v25, v14;
	v62 =	vsel vm0, $0x1, v2;
	vm0 =	vgt.f32 v9, v3  }
0x7f: {  	v14 =	vadd.s32 v26, v14;
	v30 =	vsel vm0, $0x1, v2;
	vm0 =	vgt.f32 v8, v3  }
0x80: {  	v14 =	vadd.s32 v27, v14;
	v31 =	vsel vm0, $0x1, v2;
	vm0 =	vlt.u32 v17, v0  }
0x81: {  	v14 =	vadd.s32 v28, v14;
	vm0 =	vmand vm0, vm1;
	vm1 =	vgt.f32 v6, v3  }
0x82: {  	v14 =	vadd.s32 v29, v14;
	v17 =	vsel vm1, $0x1, v2;
	vm1 =	veq.f32 v20, v3  }
0x83: {  	v14 =	vadd.s32 v59, v14;
	v19 =	vsel vm0, $0x1, v2;
	vm0 =	vmand vm14, vm1  }
0x84: {  	v14 =	vadd.s32 v60, v14;
	v20 =	vsel vm0, $0x1, v2;
	vm0 =	veq.f32 v21, v3  }
0x85: {  	vm1 =	vmand vm13, vm0;
	vm0 =	veq.f32 v6, v3;
	v6 =	vadd.s32 v61, v14  }
0x86: {  	v14 =	vsel vm1, $0x1, v2;
	vm1 =	veq.f32 v18, v3;
	v6 =	vadd.s32 v62, v6  }
0x87: {  	vm2 =	vmand vm12, vm1;
	vm1 =	veq.f32 v9, v3;
	v6 =	vadd.s32 v30, v6  }
0x88: {  	v9 =	vsel vm2, $0x1, v2;
	vm2 =	veq.f32 v16, v3;
	v6 =	vadd.s32 v31, v6  }
0x89: {  	vm3 =	vmand vm11, vm2;
	vm2 =	veq.f32 v8, v3;
	v6 =	vadd.s32 v63, v6  }
0x8a: {  	v8 =	vsel vm3, $0x1, v2;
	vm3 =	veq.f32 v15, v3;
	v6 =	vadd.s32 v17, v6  }
0x8b: {  	vm4 =	vmand vm4, vm3;
	vm3 =	veq.f32 v4, v3;
	v4 =	vadd.s32 v19, v6  }
0x8c: {  	v4 =	vadd.s32 v20, v4  }
0x8d: {  	v6 =	vsel vm4, $0x1, v2;
	vm4 =	veq.f32 v13, v3;
	v4 =	vadd.s32 v14, v4  }
0x8e: {  	vm4 =	vmand vm5, vm4;
	vm5 =	veq.f32 v11, v3;
	v4 =	vadd.s32 v9, v4  }
0x8f: {  	v11 =	vsel vm4, $0x1, v2;
	vm4 =	veq.f32 v12, v3;
	v4 =	vadd.s32 v8, v4  }
0x90: {  	vm4 =	vmand vm6, vm4;
	v4 =	vadd.s32 v6, v4;
	v6 =	vld [tilespmem:$0x1FFF0]  }
0x91: {  	vm6 =	veq.f32 v7, v3;
	v7 =	vsel vm4, $0x1, v2;
	v4 =	vadd.s32 v11, v4  }
0x92: {  	v4 =	vadd.s32 v7, v4;
	v7 =	vld [tilespmem:$0x1FFC0]  }
0x93: {  	vm4 =	veq.f32 v10, v3  }
0x94: {  	vm4 =	vmand vm7, vm4  }
0x95: {  	vm7 =	veq.f32 v5, v3;
	v5 =	vsel vm4, $0x1, v2;
	vm4 =	vnez.u8 v6  }
0x96: {  	vm4 =	vmand vm4, vm5  }
0x97: {  	v6 =	vsel vm4, $0x1, v2;
	vm4 =	vnez.u8 v7;
	v7 =	vld [tilespmem:$0x1FFD0];
	_ =	sdelay $0x3  }
0x98: {  	vm4 =	vmand vm4, vm6  }
0x99: {  	v4 =	vadd.s32 v5, v4;
	v5 =	vsel vm4, $0x1, v2;
	vm4 =	vnez.u8 v7;
	v7 =	vld [tilespmem:$0x1FFE0];
	_ =	sdelay $0x2  }
0x9a: {  	s29 =	simm.s32 $0x2  }
0x9b: {  	vm0 =	vmand vm8, vm0;
	v16 =	vmov s29;
	vm4 =	vmand vm4, vm7  }
0x9c: {  	v4 =	vadd.s32 v6, v4;
	v6 =	vsel vm4, $0x1, v2;
	vm4 =	vnez.u8 v7  }
0x9d: {  	vm13 =	vlt.u32 v16, v1;
	v4 =	vadd.s32 v5, v4;
	vm1 =	vmand vm4, vm1  }
0x9e: {  	v4 =	vadd.s32 v6, v4;
	v5 =	vsel vm1, $0x1, v2;
	vm1 =	vmand vm10, vm2  }
0x9f: {  	s28 =	simm.s32 $0x1;
	v6 =	vsel vm1, $0x1, v2;
	vm1 =	vmand vm9, vm3;
	v4 =	vadd.s32 v5, v4  }
0xa0: {  	s31 =	simm.s32 $0x0;
	v15 =	vmov s28;
	v5 =	vsel vm1, $0x1, v2;
	v4 =	vadd.s32 v6, v4  }
0xa1: {  	s30 =	simm.s32 $0x3;
	v17 =	vmov s31;
	v6 =	vsel vm0, $0x1, v2;
	v4 =	vadd.s32 v5, v4  }
0xa2: {  	s25 =	simm.s32 $0x5;
	v19 =	vmov s30;
	vm14 =	vlt.u32 v15, v1;
	v4 =	vadd.s32 v6, v4  }
0xa3: {  	s24 =	simm.s32 $0x4;
	s26 =	simm.s32 $0x6;
	v13 =	vmov s25;
	vm12 =	vlt.u32 v19, v1;
	vm0 =	vlt.s32 v4, $0x20  }
0xa4: {  	s18 =	simm.s32 $0xC;
	s23 =	simm.s32 $0x8;
	v14 =	vmov s26;
	v12 =	vmov s24;
	v3 =	vnsel vm0, $0x0, v3  }
0xa5: {  	s13 =	simm.s32 $0x0;
	s17 =	simm.s32 $0xB;
	s19 =	simm.s32 $0x9;
	v9 =	vmov s18;
	vm11 =	vlt.u32 v12, v1;
	v10 =	vmov s23;
	[tilespmem:$0x100] =	vst v3  }
0xa6: {  	s15 =	simm.s32 $0xD;
	v11 =	vmov s19;
	vm5 =	vlt.u32 v9, v1;
	v7 =	vmov s17;
	v18 =	vld [tilespmem:s13+$0x0]  }
0xa7: {  	s14 =	simm.s32 $0xF;
	s16 =	simm.s32 $0xE;
	vm6 =	vlt.u32 v7, v1;
	vm9 =	vlt.u32 v10, v1;
	v5 =	vmov s15  }
0xa8: {  	s21 =	simm.s32 $0xA;
	v6 =	vmov s16;
	vm4 =	vlt.u32 v5, v1;
	v4 =	vmov s14  }
0xa9: {  	s22 =	simm.s32 $0x7;
	vm3 =	vlt.u32 v6, v1;
	vm2 =	vlt.u32 v4, v1;
	v4 =	vmov s21  }
0xaa: {  	vm0 =	vlt.u32 v14, v1;
	v3 =	vmov s22;
	vm7 =	vlt.u32 v4, v1  }
0xab: {  	vm15 =	vlt.u32 v3, v1;
	v5 =	vbroadcast v18, $0xE;
	v4 =	vbroadcast v18, $0xF  }
0xac: {  	v3 =	vimm.s32 $0x0;
	v7 =	vbroadcast v18, $0xC;
	v6 =	vbroadcast v18, $0xD  }
0xad: {  	v3 =	vsel vm0, $0xFFFFFFFF, v3;
	v10 =	vbroadcast v18, $0xA;
	v9 =	vbroadcast v18, $0xB  }
0xae: {  	vm8 =	vlt.u32 v11, v1;
	[tilespmem:$0x1FEE0] =	vst v3;
	v3 =	vld [tilespmem:s5+$0x0];
	v12 =	vbroadcast v18, $0x8;
	v11 =	vbroadcast v18, $0x9  }
0xaf: {  	vm10 =	vlt.u32 v13, v1;
	v14 =	vbroadcast v18, $0x6;
	v13 =	vbroadcast v18, $0x7  }
0xb0: {  	v8 =	vimm.s32 $0x0;
	s14 =	simm.s32 $0x1F;
	v16 =	vbroadcast v18, $0x4;
	v15 =	vbroadcast v18, $0x5  }
.LBB2_4:
0xb1: {  	v19 =	vimm.s32 $0x0;
	v20 =	vbroadcast v18, $0x0;
	v21 =	vimm.s32 $0x0  }
0xb2: {  	v55 =	vimm.s32 $0x0;
	v56 =	vimm.s32 $0x0;
	v57 =	vimm.s32 $0x0  }
0xb3: {  	v58 =	vimm.s32 $0x0;
	v19 =	vsel vm8, $0xFFFFFFFF, v19;
	vm0 =	veq.f32 v4, v3  }
0xb4: {  	v59 =	vimm.s32 $0x0;
	[tilespmem:$0x1FE10] =	vst v19;
	v19 =	vimm.s32 $0x0;
	v21 =	vsel vm0, $0xFFFFFFFF, v21  }
0xb5: {  	v60 =	vimm.s32 $0x0;
	vm0 =	veq.f32 v7, v3;
	v19 =	vsel vm7, $0xFFFFFFFF, v19;
	[tilespmem:$0x1FED0] =	vst v21  }
0xb6: {  	v61 =	vimm.s32 $0x0;
	v21 =	vsel vm0, $0xFFFFFFFF, v55;
	vm0 =	veq.f32 v6, v3;
	[tilespmem:$0x1FE30] =	vst v19  }
0xb7: {  	v62 =	vimm.s32 $0x0;
	v19 =	vimm.s32 $0x0;
	[tilespmem:$0x1FE60] =	vst v21;
	v21 =	vsel vm0, $0xFFFFFFFF, v56  }
0xb8: {  	vm1 =	vmmov vm9;
	vm0 =	veq.f32 v5, v3;
	v19 =	vsel vm6, $0xFFFFFFFF, v19;
	[tilespmem:$0x1FE80] =	vst v21  }
0xb9: {  	vm8 =	vgt.f32 v20, v3;
	v21 =	vsel vm0, $0xFFFFFFFF, v57;
	vm0 =	veq.f32 v11, v3;
	[tilespmem:$0x1FE50] =	vst v19  }
0xba: {  	v63 =	vsel vm8, $0x1, v2;
	v19 =	vimm.s32 $0x0;
	[tilespmem:$0x1FEA0] =	vst v21;
	v21 =	vsel vm0, $0xFFFFFFFF, v58  }
0xbb: {  	vm8 =	veq.f32 v20, v3;
	vm0 =	veq.f32 v10, v3;
	v19 =	vsel vm5, $0xFFFFFFFF, v19;
	[tilespmem:$0x1FE00] =	vst v21  }
0xbc: {  	v8 =	vadd.s32 v63, v8;
	v21 =	vsel vm0, $0xFFFFFFFF, v59;
	[tilespmem:$0x1FE70] =	vst v19;
	v19 =	vimm.s32 $0x0  }
0xbd: {  	vm6 =	veq.f32 v15, v3;
	vm0 =	veq.f32 v9, v3;
	[tilespmem:$0x1FE20] =	vst v21;
	v19 =	vsel vm4, $0xFFFFFFFF, v19  }
0xbe: {  	v21 =	vsel vm0, $0xFFFFFFFF, v60;
	vm0 =	veq.f32 v13, v3;
	[tilespmem:$0x1FE90] =	vst v19;
	v19 =	vimm.s32 $0x0  }
0xbf: {  	vm5 =	veq.f32 v14, v3;
	[tilespmem:$0x1FE40] =	vst v21;
	v21 =	vsel vm0, $0xFFFFFFFF, v61;
	v19 =	vsel vm3, $0xFFFFFFFF, v19  }
0xc0: {  	vm0 =	veq.f32 v12, v3;
	vm4 =	vmmov vm15;
	[tilespmem:$0x1FEB0] =	vst v19;
	v19 =	vimm.s32 $0x0  }
0xc1: {  	[tilespmem:$0x1FDE0] =	vst v21;
	v19 =	vsel vm2, $0xFFFFFFFF, v19;
	vm2 =	vlt.u32 v17, v1;
	v17 =	vbroadcast v18, $0x2  }
0xc2: {  	v21 =	vsel vm0, $0xFFFFFFFF, v62;
	[tilespmem:$0x1FEC0] =	vst v19;
	v19 =	vbroadcast v18, $0x3;
	v18 =	vbroadcast v18, $0x1  }
0xc3: {  	vm3 =	veq.f32 v16, v3;
	vm2 =	vmand vm2, vm8;
	vm15 =	veq.f32 v17, v3  }
0xc4: {  	vm7 =	veq.f32 v19, v3;
	vm0 =	veq.f32 v18, v3;
	vm9 =	vgt.f32 v18, v3  }
0xc5: {  	v18 =	vsel vm9, $0x1, v2;
	vm9 =	vgt.f32 v17, v3;
	vm0 =	vmand vm14, vm0  }
0xc6: {  	v17 =	vsel vm9, $0x1, v2;
	vm9 =	vgt.f32 v19, v3;
	v8 =	vadd.s32 v18, v8  }
0xc7: {  	v18 =	vsel vm9, $0x1, v2;
	vm9 =	vgt.f32 v16, v3;
	v8 =	vadd.s32 v17, v8  }
0xc8: {  	v16 =	vsel vm9, $0x1, v2;
	vm9 =	vgt.f32 v15, v3;
	v8 =	vadd.s32 v18, v8  }
0xc9: {  	v15 =	vsel vm9, $0x1, v2;
	vm9 =	vgt.f32 v14, v3;
	v8 =	vadd.s32 v16, v8  }
0xca: {  	v14 =	vsel vm9, $0x1, v2;
	vm9 =	vgt.f32 v13, v3;
	v8 =	vadd.s32 v15, v8  }
0xcb: {  	v13 =	vsel vm9, $0x1, v2;
	vm9 =	vgt.f32 v12, v3;
	v8 =	vadd.s32 v14, v8  }
0xcc: {  	v12 =	vsel vm9, $0x1, v2;
	vm9 =	vgt.f32 v11, v3;
	v8 =	vadd.s32 v13, v8  }
0xcd: {  	v11 =	vsel vm9, $0x1, v2;
	vm9 =	vgt.f32 v10, v3;
	v8 =	vadd.s32 v12, v8  }
0xce: {  	v10 =	vsel vm9, $0x1, v2;
	vm9 =	vgt.f32 v9, v3;
	v8 =	vadd.s32 v11, v8  }
0xcf: {  	v9 =	vsel vm9, $0x1, v2;
	vm9 =	vgt.f32 v7, v3;
	v7 =	vadd.s32 v10, v8  }
0xd0: {  	v8 =	vsel vm9, $0x1, v2;
	vm9 =	vgt.f32 v6, v3;
	v6 =	vadd.s32 v9, v7  }
0xd1: {  	v7 =	vsel vm9, $0x1, v2;
	vm9 =	vgt.f32 v5, v3;
	v5 =	vadd.s32 v8, v6  }
0xd2: {  	v6 =	vsel vm9, $0x1, v2;
	vm9 =	vgt.f32 v4, v3;
	v4 =	vadd.s32 v7, v5  }
0xd3: {  	v7 =	vld [tilespmem:$0x1FEE0];
	v5 =	vsel vm9, $0x1, v2;
	v4 =	vadd.s32 v6, v4;
	v6 =	vsel vm2, $0x1, v2  }
0xd4: {  	v4 =	vadd.s32 v5, v4;
	v5 =	vsel vm0, $0x1, v2;
	vm0 =	vmand vm13, vm15  }
0xd5: {  	v4 =	vadd.s32 v6, v4;
	v6 =	vsel vm0, $0x1, v2;
	vm0 =	vmand vm12, vm7  }
0xd6: {  	v4 =	vadd.s32 v5, v4;
	v5 =	vsel vm0, $0x1, v2;
	vm0 =	vmand vm11, vm3  }
0xd7: {  	v4 =	vadd.s32 v6, v4;
	v6 =	vsel vm0, $0x1, v2;
	vm0 =	vmand vm10, vm6  }
0xd8: {  	v4 =	vadd.s32 v5, v4;
	v5 =	vsel vm0, $0x1, v2;
	vm0 =	vnez.u8 v7;
	v7 =	vld [tilespmem:$0x1FDE0];
	_ =	sdelay $0x3  }
0xd9: {  	[tilespmem:$0x1FDF0] =	vst v21;
	vm0 =	vmand vm0, vm5  }
0xda: {  	v4 =	vadd.s32 v6, v4;
	v6 =	vsel vm0, $0x1, v2;
	vm0 =	vnez.u8 v7;
	v7 =	vld [tilespmem:$0x1FDF0];
	_ =	sdelay $0x3  }
0xdb: {  	vm0 =	vmand vm4, vm0  }
0xdc: {  	v4 =	vadd.s32 v5, v4;
	v5 =	vsel vm0, $0x1, v2;
	vm0 =	vnez.u8 v7;
	v7 =	vld [tilespmem:$0x1FE00];
	_ =	sdelay $0x3  }
0xdd: {  	vm0 =	vmand vm1, vm0  }
0xde: {  	v4 =	vadd.s32 v6, v4;
	v6 =	vsel vm0, $0x1, v2;
	vm0 =	vnez.u8 v7;
	v7 =	vld [tilespmem:$0x1FE10];
	_ =	sdelay $0x4  }
0xdf: {  	vm1 =	vnez.u8 v7;
	v7 =	vld [tilespmem:$0x1FE20];
	_ =	sdelay $0x3  }
0xe0: {  	vm0 =	vmand vm1, vm0  }
0xe1: {  	v4 =	vadd.s32 v5, v4;
	v5 =	vsel vm0, $0x1, v2;
	vm0 =	vnez.u8 v7;
	v7 =	vld [tilespmem:$0x1FE30];
	_ =	sdelay $0x4  }
0xe2: {  	vm1 =	vnez.u8 v7;
	v7 =	vld [tilespmem:$0x1FE40];
	_ =	sdelay $0x3  }
0xe3: {  	vm0 =	vmand vm1, vm0  }
0xe4: {  	v4 =	vadd.s32 v6, v4;
	v6 =	vsel vm0, $0x1, v2;
	vm0 =	vnez.u8 v7;
	v7 =	vld [tilespmem:$0x1FE50];
	_ =	sdelay $0x4  }
0xe5: {  	vm1 =	vnez.u8 v7;
	v7 =	vld [tilespmem:$0x1FE60];
	_ =	sdelay $0x3  }
0xe6: {  	vm0 =	vmand vm1, vm0  }
0xe7: {  	v4 =	vadd.s32 v5, v4;
	v5 =	vsel vm0, $0x1, v2;
	vm0 =	vnez.u8 v7;
	v7 =	vld [tilespmem:$0x1FE70];
	_ =	sdelay $0x4  }
0xe8: {  	vm1 =	vnez.u8 v7;
	v7 =	vld [tilespmem:$0x1FE80];
	_ =	sdelay $0x3  }
0xe9: {  	vm0 =	vmand vm1, vm0  }
0xea: {  	v4 =	vadd.s32 v6, v4;
	v6 =	vsel vm0, $0x1, v2;
	vm0 =	vnez.u8 v7;
	v7 =	vld [tilespmem:$0x1FE90];
	_ =	sdelay $0x4  }
0xeb: {  	vm1 =	vnez.u8 v7;
	v7 =	vld [tilespmem:$0x1FEA0];
	_ =	sdelay $0x3  }
0xec: {  	vm0 =	vmand vm1, vm0  }
0xed: {  	s13 =	sadd.s32 $0x10, s13;
	v4 =	vadd.s32 v5, v4;
	v5 =	vsel vm0, $0x1, v2;
	vm0 =	vnez.u8 v7;
	v7 =	vld [tilespmem:$0x1FEB0]  }
0xee: {  	v18 =	vld [tilespmem:s13+$0x0]  }
0xef: {  	s29 =	sadd.s32 $0xFFFFFFF3, s14;
	s30 =	sadd.s32 $0xFFFFFFF4, s14  }
0xf0: {  	s26 =	sadd.s32 $0xFFFFFFF7, s14;
	s28 =	sadd.s32 $0xFFFFFFF2, s14;
	s31 =	sadd.s32 $0xFFFFFFF1, s14;
	v20 =	vmov s30;
	v19 =	vmov s29  }
0xf1: {  	s25 =	sadd.s32 $0xFFFFFFF6, s14;
	v17 =	vmov s31;
	v16 =	vmov s28;
	v15 =	vmov s26  }
0xf2: {  	s20 =	sadd.s32 $0xFFFFFFFA, s14;
	s24 =	sadd.s32 $0xFFFFFFF5, s14;
	vm14 =	vlt.u32 v16, v1;
	v14 =	vmov s25;
	vm1 =	vnez.u8 v7;
	v7 =	vld [tilespmem:$0x1FEC0]  }
0xf3: {  	s23 =	sadd.s32 $0xFFFFFFF9, s14;
	v13 =	vmov s24;
	v12 =	vmov s20;
	v16 =	vbroadcast v18, $0x4  }
0xf4: {  	s19 =	sadd.s32 $0xFFFFFFFD, s14;
	s22 =	sadd.s32 $0xFFFFFFF8, s14;
	v11 =	vmov s23;
	vm8 =	vlt.u32 v12, v1;
	v12 =	vbroadcast v18, $0x8  }
0xf5: {  	v10 =	vmov s22;
	v9 =	vmov s19;
	vm9 =	vlt.u32 v11, v1  }
0xf6: {  	v11 =	vbroadcast v18, $0x9;
	vm15 =	vlt.u32 v10, v1;
	vm0 =	vmand vm1, vm0  }
0xf7: {  	v4 =	vadd.s32 v6, v4;
	v6 =	vsel vm0, $0x1, v2;
	vm0 =	vnez.u8 v7;
	v7 =	vld [tilespmem:$0x1FED0]  }
0xf8: {  	v10 =	vbroadcast v18, $0xA;
	vm13 =	vlt.u32 v19, v1;
	vm12 =	vlt.u32 v20, v1  }
0xf9: {  	vm11 =	vlt.u32 v13, v1;
	v13 =	vbroadcast v18, $0x7;
	vm10 =	vlt.u32 v14, v1  }
0xfa: {  	v14 =	vbroadcast v18, $0x6;
	vm5 =	vlt.u32 v9, v1;
	v4 =	vadd.s32 v5, v4  }
0xfb: {  	s17 =	sadd.s32 $0xFFFFFFFB, s14;
	v9 =	vbroadcast v18, $0xB;
	v4 =	vadd.s32 v6, v4;
	v6 =	vmov s14  }
0xfc: {  	s18 =	sadd.s32 $0xFFFFFFFC, s14;
	vm2 =	vlt.u32 v6, v1;
	v6 =	vmov s17;
	vm1 =	vnez.u8 v7  }
0xfd: {  	p0 =	sne.s32 s14, $0xFF;
	vm7 =	vlt.u32 v6, v1;
	v7 =	vmov s18;
	vm0 =	vmand vm0, vm1  }
.Ltmp1:
0xfe: {  	s15 =	sadd.s32 $0xFFFFFFFE, s14;
	v6 =	vbroadcast v18, $0xD;
	vm6 =	vlt.u32 v7, v1;
	v5 =	vsel vm0, $0x1, v2;
	(pc) =	sbr.rel @p0 .LBB2_4-.Ltmp1, $4  }
0xff: {  	v7 =	vbroadcast v18, $0xC;
	v8 =	vadd.s32 v5, v4;
	v4 =	vmov s15  }
0x100: {  	s16 =	sadd.s32 $0xFFFFFFFF, s14;
	vm0 =	vlt.u32 v15, v1;
	vm4 =	vlt.u32 v4, v1;
	v4 =	vimm.s32 $0x0  }
0x101: {  	v15 =	vbroadcast v18, $0x5;
	v5 =	vmov s16;
	v4 =	vsel vm0, $0xFFFFFFFF, v4  }
0x102: {  	s14 =	sadd.s32 $0x10, s14;
	vm3 =	vlt.u32 v5, v1;
	v5 =	vbroadcast v18, $0xE;
	[tilespmem:$0x1FEE0] =	vst v4;
	v4 =	vbroadcast v18, $0xF  }
0x103: {  	v19 =	vbroadcast v18, $0x0  }
0x104: {  	v20 =	vbroadcast v18, $0x1  }
0x105: {  	v21 =	vbroadcast v18, $0x2;
	vm0 =	vgt.f32 v19, v3  }
0x106: {  	v36 =	vbroadcast v18, $0x3;
	vm1 =	vgt.f32 v20, v3;
	v22 =	vsel vm0, $0x1, v2  }
0x107: {  	v23 =	vsel vm1, $0x1, v2;
	vm0 =	vgt.f32 v21, v3;
	vm1 =	vgt.f32 v16, v3  }
0x108: {  	v24 =	vsel vm0, $0x1, v2;
	vm0 =	vgt.f32 v36, v3;
	v26 =	vsel vm1, $0x1, v2  }
0x109: {  	vm1 =	vgt.f32 v13, v3;
	v8 =	vadd.s32 v22, v8;
	v25 =	vsel vm0, $0x1, v2  }
0x10a: {  	vm0 =	vgt.f32 v15, v3;
	v29 =	vsel vm1, $0x1, v2;
	v8 =	vadd.s32 v23, v8  }
0x10b: {  	vm1 =	vgt.f32 v5, v3;
	v27 =	vsel vm0, $0x1, v2;
	vm0 =	vgt.f32 v14, v3  }
0x10c: {  	v8 =	vadd.s32 v24, v8;
	v41 =	vsel vm1, $0x1, v2;
	vm1 =	veq.f32 v19, v3  }
0x10d: {  	v28 =	vsel vm0, $0x1, v2;
	vm0 =	vgt.f32 v12, v3;
	v8 =	vadd.s32 v25, v8  }
0x10e: {  	v37 =	vsel vm0, $0x1, v2;
	vm0 =	vgt.f32 v11, v3;
	v8 =	vadd.s32 v26, v8  }
0x10f: {  	v38 =	vsel vm0, $0x1, v2;
	vm0 =	vgt.f32 v10, v3;
	v8 =	vadd.s32 v27, v8  }
0x110: {  	v39 =	vsel vm0, $0x1, v2;
	vm0 =	vgt.f32 v9, v3;
	v8 =	vadd.s32 v28, v8  }
0x111: {  	v40 =	vsel vm0, $0x1, v2;
	vm0 =	vgt.f32 v7, v3;
	v8 =	vadd.s32 v29, v8  }
0x112: {  	v30 =	vsel vm0, $0x1, v2;
	vm0 =	vgt.f32 v6, v3;
	v8 =	vadd.s32 v37, v8  }
0x113: {  	v31 =	vsel vm0, $0x1, v2;
	vm0 =	vlt.u32 v17, v1;
	v8 =	vadd.s32 v38, v8  }
0x114: {  	vm0 =	vmand vm0, vm1;
	vm1 =	vgt.f32 v4, v3;
	v8 =	vadd.s32 v39, v8  }
0x115: {  	v42 =	vsel vm1, $0x1, v2;
	vm1 =	veq.f32 v20, v3;
	v8 =	vadd.s32 v40, v8  }
0x116: {  	v49 =	vld [tilespmem:$0x1FEE0];
	v43 =	vsel vm0, $0x1, v2;
	vm14 =	vmand vm14, vm1;
	v8 =	vadd.s32 v30, v8  }
0x117: {  	v44 =	vsel vm14, $0x1, v2;
	vm14 =	veq.f32 v21, v3;
	v8 =	vadd.s32 v31, v8  }
0x118: {  	vm0 =	vmand vm13, vm14;
	vm14 =	veq.f32 v36, v3;
	v8 =	vadd.s32 v41, v8  }
0x119: {  	v45 =	vsel vm0, $0x1, v2;
	vm13 =	vmand vm12, vm14;
	vm14 =	veq.f32 v16, v3  }
0x11a: {  	v8 =	vadd.s32 v42, v8;
	v46 =	vsel vm13, $0x1, v2;
	vm0 =	vmand vm11, vm14  }
0x11b: {  	vm11 =	veq.f32 v15, v3;
	vm13 =	veq.f32 v14, v3;
	vm14 =	vnez.u8 v49  }
0x11c: {  	v8 =	vadd.s32 v43, v8;
	v47 =	vsel vm0, $0x1, v2;
	vm12 =	vmand vm10, vm11  }
0x11d: {  	vm0 =	vmand vm14, vm13;
	vm10 =	veq.f32 v13, v3;
	v8 =	vadd.s32 v44, v8  }
0x11e: {  	vm13 =	veq.f32 v11, v3;
	v48 =	vsel vm12, $0x1, v2;
	v50 =	vsel vm0, $0x1, v2  }
0x11f: {  	vm11 =	vmand vm15, vm10;
	vm12 =	veq.f32 v12, v3;
	v8 =	vadd.s32 v45, v8  }
0x120: {  	vm14 =	vmand vm8, vm13;
	vm15 =	veq.f32 v10, v3;
	v8 =	vadd.s32 v46, v8  }
0x121: {  	vm10 =	veq.f32 v6, v3;
	vm13 =	veq.f32 v4, v3;
	v8 =	vadd.s32 v47, v8  }
0x122: {  	v51 =	vsel vm11, $0x1, v2;
	vm0 =	vmand vm9, vm12;
	v8 =	vadd.s32 v48, v8  }
0x123: {  	v53 =	vsel vm14, $0x1, v2;
	vm9 =	veq.f32 v7, v3;
	v8 =	vadd.s32 v50, v8  }
0x124: {  	vm11 =	vmand vm4, vm10;
	v52 =	vsel vm0, $0x1, v2;
	v8 =	vadd.s32 v51, v8  }
0x125: {  	vm0 =	vmand vm7, vm15;
	vm7 =	veq.f32 v9, v3;
	v56 =	vadd.s32 v52, v8  }
0x126: {  	v54 =	vsel vm0, $0x1, v2;
	vm8 =	vmand vm6, vm7;
	v57 =	vadd.s32 v53, v56  }
0x127: {  	vm0 =	vmand vm5, vm9;
	v55 =	vsel vm8, $0x1, v2;
	v6 =	vadd.s32 v54, v57  }
0x128: {  	vm12 =	veq.f32 v5, v3;
	v58 =	vsel vm0, $0x1, v2;
	v60 =	vadd.s32 v55, v6  }
0x129: {  	v59 =	vsel vm11, $0x1, v2;
	vm0 =	vmand vm3, vm12;
	v61 =	vadd.s32 v58, v60  }
0x12a: {  	vm14 =	vmand vm2, vm13;
	v62 =	vsel vm0, $0x1, v2;
	v4 =	vadd.s32 v59, v61  }
0x12b: {  	v63 =	vsel vm14, $0x1, v2;
	v4 =	vadd.s32 v62, v4  }
0x12c: {  	v4 =	vadd.s32 v63, v4  }
0x12d: {  	s12 =	sadd.s32 $0x1, s12;
	vm15 =	vlt.s32 v4, $0x20  }
0x12e: {  	p0 =	sne.s32 s12, s7;
	v3 =	vnsel vm15, $0x0, v3  }
.Ltmp2:
0x12f: {  	[tilespmem:$0x110] =	vst v3;
	(pc) =	sbr.rel @p0 .LBB2_1-.Ltmp2, $4  }
0x130: {  	[hbm4b:s6+s2] =	stream.linear.scatter [tilespmem:s11], [sflag:$0x1], $0x20, $0x38;
	[tilespmem:$0x180] =	vst v63  }
0x131: {  	_ =	swait.ge [sflag:s10], $0x20  }
0x132: {  	[sflag:s10] =	ssyncset.done $0x0  }
0x133: {  	[sflag:s10] =	ssyncadd.s32 $0xFFFFFFE0  }
0x134: {  	_ =	sfence.sel $0x180000  }
0x135: {  	[bflag:$0x0] =	sbarrier.arrive $0xFFFF  }
0x136: {  	p0 =	sne.s32 s0, $0x0;
	_ =	strace $0x90000047  }
0x137: {  	s0 =	sadd.s32 @!p0 $0x100000, s1;
	[bflag:$0x2] =	sbarrier.arrive $0xFFFF  }
0x138: {  	[sflag:s0] =	ssyncadd.tile.s32 @!p0 $0x1;
	_ =	shalt  }
.Lfunc_end2:
_tile_overlayer_lowered:
.L_overlay_start_2:
0x139: {  	(tag) =	ssettag $0x2  }
0x13a: {  	s0 =	rddreg [dreg:$0x0];
	s2 =	stileid.u32  }
0x13b: {  	s1 =	rddreg [dreg:$0x1];
	p0 =	sne.s32 s2, $0x0  }
0x13c: {  	s3 =	rddreg [dreg:$0x2];
	[bflag:$0x3] =	sbarrier.arrive $0xFFFF;
	s2 =	simm.s32 @!p0 $0x1C02  }
0x13d: {  	[timem:s3], [sflag:s2] =	dma.local @!p0 [hbm:s0], s1  }
0x13e: {  	s0 =	simm.s32 @!p0 $0x2  }
0x13f: {  	_ =	swait.ge @!p0 [sflag:s0], s1  }
0x140: {  	s1 =	ssub.s32 @!p0 $0x0, s1;
	[sflag:s0] =	ssyncset.done @!p0 $0x0  }
0x141: {  	[sflag:s0] =	ssyncadd.s32 @!p0 s1  }
0x142: {  	[bflag:$0x3] =	sbarrier.arrive $0xFFFF  }
0x143: {  	_ =	shalt  }

</sc_bundles>
